<compile_context>
chip_gen: v7x
topology: tpu7x:2x2x1
jax: 0.10.2.dev20260603
libtpu: 0.0.44.dev20260713+nightly
codegen_flags: <defaults>
</compile_context>

<pallas_src>
import functools

import jax
import jax.numpy as jnp
from jax import lax
from jax.experimental import pallas as pl
from jax.experimental.pallas import tpu as pltpu
from jax.experimental.pallas import tpu_sc as plsc

_VOCAB = 1000
_VPAD = 1024
_D = 32
_N = 128
_BATCH = 16384
_HIST = 200
_LANES = 16
_NC = 2
_NS = 16
_NW = _NC * _NS
_NCHB = 4
_CB = _BATCH // _NCHB
_ROWS_PER_W = _CB // _NW
_GROUPS = _ROWS_PER_W // _LANES
_GBOS = _LANES * _HIST
_GHIST = _LANES * _VPAD
_BM = 1024


def _hist_body(bos_hbm, hist_hbm, bos_a, bos_b, hist_a, hist_b,
               sem_ba, sem_bb, sem_ha, sem_hb):
  wid = lax.axis_index("s") * _NC + lax.axis_index("c")
  base = wid * _ROWS_PER_W

  iota = lax.iota(jnp.int32, _LANES)
  col0 = iota * _HIST
  rowoff = iota * _VPAD
  ones = jnp.full((_LANES,), 1.0, jnp.float32)
  zf = jnp.zeros((_LANES,), jnp.float32)

  bos_bufs = (bos_a, bos_b)
  hist_bufs = (hist_a, hist_b)
  bos_sems = (sem_ba, sem_bb)
  hist_sems = (sem_ha, sem_hb)

  def bos_src(g):
    return bos_hbm.at[pl.ds((base + g * _LANES) * _HIST, _GBOS)]

  def hist_dst(g):
    return hist_hbm.at[pl.ds((base + g * _LANES) * _VPAD, _GHIST)]

  pltpu.async_copy(bos_src(0), bos_a, sem_ba)

  def pair_body(k, _):
    for p in range(2):
      g = 2 * k + p
      bos_v, hist_v = bos_bufs[p], hist_bufs[p]
      bsem, hsem = bos_sems[p], hist_sems[p]

      @pl.when(g >= 2)
      def _wait_hist():
        pltpu.make_async_copy(hist_v, hist_dst(0), hsem).wait()

      @plsc.parallel_loop(0, _VPAD, 1, unroll=8)
      def _zero(i):
        hist_v[pl.ds(i * _LANES, _LANES)] = zf

      pltpu.make_async_copy(bos_src(0), bos_v, bsem).wait()

      nb = (p + 1) % 2

      @pl.when(g + 1 < _GROUPS)
      def _prefetch():
        pltpu.async_copy(bos_src(g + 1), bos_bufs[nb], bos_sems[nb])

      @plsc.parallel_loop(0, _HIST, 1, unroll=8)
      def _scatter(l):
        tokc = plsc.load_gather(bos_v, [col0 + l])
        plsc.addupdate_scatter(hist_v, [tokc + rowoff], ones)

      pltpu.async_copy(hist_v, hist_dst(g), hsem)
    return 0

  lax.fori_loop(0, _GROUPS // 2, pair_body, 0)

  pltpu.make_async_copy(hist_a, hist_dst(0), sem_ha).wait()
  pltpu.make_async_copy(hist_b, hist_dst(0), sem_hb).wait()


def _mm_body(hist_ref, tab_ref, out_ref):
  h = hist_ref[...].reshape(_BM, _VPAD).astype(jnp.bfloat16)
  r = jnp.dot(h, tab_ref[...], preferred_element_type=jnp.float32)
  out_ref[...] = r[:, :_D] / r[:, _D:_D + 1]


@functools.partial(jax.jit, donate_argnums=())
def _run(bos, tab_aug):
  mesh = plsc.VectorSubcoreMesh(core_axis_name="c", subcore_axis_name="s")
  hist_k = pl.kernel(
      _hist_body,
      out_type=jax.ShapeDtypeStruct((_CB * _VPAD,), jnp.float32),
      mesh=mesh,
      scratch_types=[
          pltpu.VMEM((_GBOS,), jnp.int32),
          pltpu.VMEM((_GBOS,), jnp.int32),
          pltpu.VMEM((_GHIST,), jnp.float32),
          pltpu.VMEM((_GHIST,), jnp.float32),
          pltpu.SemaphoreType.DMA,
          pltpu.SemaphoreType.DMA,
          pltpu.SemaphoreType.DMA,
          pltpu.SemaphoreType.DMA,
      ],
      compiler_params=pltpu.CompilerParams(needs_layout_passes=False),
  )
  mm = pl.pallas_call(
      _mm_body,
      grid=(_CB // _BM,),
      in_specs=[
          pl.BlockSpec((_BM * _VPAD,), lambda i: (i,)),
          pl.BlockSpec((_VPAD, _N), lambda i: (0, 0)),
      ],
      out_specs=pl.BlockSpec((_BM, _D), lambda i: (i, 0)),
      out_shape=jax.ShapeDtypeStruct((_CB, _D), jnp.float32),
  )
  outs = []
  for i in range(_NCHB):
    flat_i = lax.slice_in_dim(bos, i * _CB, (i + 1) * _CB).reshape(-1)
    outs.append(mm(hist_k(flat_i), tab_aug))
  return jnp.concatenate(outs, 0)


def kernel(bos, table):
  tab_eff = table.at[0].set(0.0)
  ones_col = jnp.ones((_VOCAB, 1), jnp.float32).at[0, 0].set(0.0)
  pad = jnp.zeros((_VOCAB, _N - _D - 1), jnp.float32)
  tab_aug = jnp.concatenate([tab_eff, ones_col, pad], 1).astype(jnp.bfloat16)
  tab_aug = jnp.pad(tab_aug, ((0, _VPAD - _VOCAB), (0, 0)))
  return _run(bos, tab_aug)

# --- scband reference (transcript-rebuilt; emitter-appended) ---
"""Pipeline reference for scband-bo-s-35064113005137 (READ-ONLY COPY).

The authoritative reference and input builder live on the scoring server;
editing this copy changes nothing except your own understanding.
"""

import jax, jax.numpy as jnp
import numpy as np

VOCAB = 1000
EMBED_DIM = 32
BATCH = 16384
HIST = 200

def setup_inputs(seed: int = 0) -> dict:
    key = jax.random.key(seed)
    k1, k2 = jax.random.split(key)
    bos = jax.random.randint(k1, (BATCH, HIST), 0, VOCAB, dtype=jnp.int32)
    # nn.Embedding default init is N(0, 1); padding_idx=0 row is zeroed (applied in reference)
    table = jax.random.normal(k2, (VOCAB, EMBED_DIM), dtype=jnp.float32)
    return {"bos": bos, "table": table}

def reference(bos, table):
    # emulate padding_idx=0: row 0 contributes zeros
    table_eff = table.at[0].set(0.0)
    emb = jnp.take(table_eff, bos, axis=0)  # [B, L, D] gather
    lengths = (bos != 0).astype(jnp.int32).sum(axis=1)  # [B]
    summed = emb.sum(axis=1)  # [B, D]
    return summed / lengths[:, None].astype(jnp.float32)

if __name__ == "__main__":
    import jax
    _d = setup_inputs()
    print(jax.jit(kernel)(*tuple(_d.values())))

</pallas_src>

<mosaic_0001>
#map = affine_map<(d0, d1) -> (0)>
module attributes {stable_mosaic.version = 14 : i64} {
  func.func @_hist_body(%arg0: i32, %arg1: i32, %arg2: memref<819200xi32, #tpu.memory_space<hbm>>, %arg3: memref<4194304xf32, #tpu.memory_space<hbm>>, %arg4: memref<3200xi32, #tpu.memory_space<vmem>>, %arg5: memref<3200xi32, #tpu.memory_space<vmem>>, %arg6: memref<16384xf32, #tpu.memory_space<vmem>>, %arg7: memref<16384xf32, #tpu.memory_space<vmem>>, %arg8: memref<!tpu.dma_semaphore, #tpu.memory_space<semaphore_mem>>, %arg9: memref<!tpu.dma_semaphore, #tpu.memory_space<semaphore_mem>>, %arg10: memref<!tpu.dma_semaphore, #tpu.memory_space<semaphore_mem>>, %arg11: memref<!tpu.dma_semaphore, #tpu.memory_space<semaphore_mem>>) attributes {dimension_semantics = [#tpu.dimension_semantics<core_parallel>, #tpu.dimension_semantics<subcore_parallel>], iteration_bounds = array<i64: 2, 16>, scalar_prefetch = 0 : i64, scratch_operands = 8 : i64, tpu.core_type = #tpu.core_type<sc_vector_subcore>, window_params = [{transform_indices = #map}, {transform_indices = #map}]} {
    %mul3A = arith.constant 2 : i32
    %mul3A_0 = arith.muli %arg1, %mul3A : i32
    %add3A = arith.addi %mul3A_0, %arg0 : i32
    %mul3A_1 = arith.constant 128 : i32
    %mul3A_2 = arith.muli %add3A, %mul3A_1 : i32
    %iota3A = tpu.iota {dimensions = array<i32: 0>} : vector<16xi32>
    %mul3A_3 = arith.constant 200 : i32
    %mul3A_4 = vector.broadcast %mul3A_3 : i32 to vector<16xi32>
    %mul3A_5 = arith.muli %iota3A, %mul3A_4 : vector<16xi32>
    %mul3A_6 = arith.constant 1024 : i32
    %mul3A_7 = vector.broadcast %mul3A_6 : i32 to vector<16xi32>
    %mul3A_8 = arith.muli %iota3A, %mul3A_7 : vector<16xi32>
    %broadcast_in_dim3A = arith.constant 1.000000e+00 : f32
    %broadcast_in_dim3A_9 = vector.broadcast %broadcast_in_dim3A : f32 to vector<16xf32>
    %broadcast_in_dim3A_10 = arith.constant 0.000000e+00 : f32
    %broadcast_in_dim3A_11 = vector.broadcast %broadcast_in_dim3A_10 : f32 to vector<16xf32>
    %add3A_12 = arith.constant 0 : i32
    %add3A_13 = arith.addi %mul3A_2, %add3A_12 : i32
    %mul3A_14 = arith.constant 200 : i32
    %mul3A_15 = arith.muli %add3A_13, %mul3A_14 : i32
    %dma_start3A = tpu.memref_slice %arg2[%mul3A_15] : memref<819200xi32, #tpu.memory_space<hbm>> -> memref<3200xi32, #tpu.memory_space<hbm>>
    %dma_start3A_16 = tpu.memref_slice %arg2[%mul3A_15] : memref<819200xi32, #tpu.memory_space<hbm>> -> memref<3200xi32, #tpu.memory_space<hbm>>
    tpu.enqueue_dma source(%dma_start3A_16 : memref<3200xi32, #tpu.memory_space<hbm>>) target(%arg4 : memref<3200xi32, #tpu.memory_space<vmem>>) target_semaphore(%arg8 : memref<!tpu.dma_semaphore, #tpu.memory_space<semaphore_mem>>)
    %scan3A = arith.constant 0 : i32
    %scan3A_17 = arith.constant 0 : i32
    %scan3A_18 = arith.constant 4 : i32
    %scan3A_19 = arith.addi %scan3A_17, %scan3A_18 : i32
    %scan3A_20 = arith.constant 1 : i32
    %scan3A_21 = scf.for %scan3A_34 = %scan3A_17 to %scan3A_19 step %scan3A_20 iter_args(%scan3A_35 = %scan3A) -> (i32)  : i32 {
      %mul3A_36 = arith.constant 2 : i32
      %mul3A_37 = arith.muli %mul3A_36, %scan3A_34 : i32
      %add3A_38 = arith.constant 0 : i32
      %add3A_39 = arith.addi %mul3A_37, %add3A_38 : i32
      %ge3A = arith.constant 2 : i32
      %ge3A_40 = arith.cmpi sge, %add3A_39, %ge3A : i32
      %convert_element_type3A = arith.extui %ge3A_40 : i1 to i32
      %cond3A = arith.constant 0 : i32
      %cond3A_41 = arith.cmpi ne, %convert_element_type3A, %cond3A : i32
      scf.if %cond3A_41 {
        %add3A_102 = arith.constant 0 : i32
        %add3A_103 = arith.addi %mul3A_2, %add3A_102 : i32
        %mul3A_104 = arith.constant 1024 : i32
        %mul3A_105 = arith.muli %add3A_103, %mul3A_104 : i32
        %dma_wait3A_106 = tpu.memref_slice %arg3[%mul3A_105] : memref<4194304xf32, #tpu.memory_space<hbm>> -> memref<16384xf32, #tpu.memory_space<hbm>>
        %dma_wait3A_107 = tpu.memref_slice %arg3[%mul3A_105] : memref<4194304xf32, #tpu.memory_space<hbm>> -> memref<16384xf32, #tpu.memory_space<hbm>>
        tpu.wait_dma2 semaphore(%arg10 : memref<!tpu.dma_semaphore, #tpu.memory_space<semaphore_mem>>) src(%arg6 : memref<16384xf32, #tpu.memory_space<vmem>>) dst(%dma_wait3A_107 : memref<16384xf32, #tpu.memory_space<hbm>>)
      } else {
      }
      %parallel_loop3A = arith.constant 0 : i32
      %parallel_loop3A_42 = arith.constant 1024 : i32
      %parallel_loop3A_43 = arith.constant 1 : i32
      scf.for %parallel_loop3A_102 = %parallel_loop3A to %parallel_loop3A_42 step %parallel_loop3A_43  : i32 {
        %parallel_loop3A_103 = arith.constant 16 : i32
        %parallel_loop3A_104 = arith.muli %parallel_loop3A_102, %parallel_loop3A_103 : i32
        %parallel_loop3A_105 = arith.index_cast %parallel_loop3A_104 : i32 to index
        %parallel_loop3A_106 = tpu.vector_load %arg6[%parallel_loop3A_105] {strides = array<i32>} : memref<16384xf32, #tpu.memory_space<vmem>>, vector<16xf32>,
        tpu.vector_store %arg6[%parallel_loop3A_105], %broadcast_in_dim3A_11 {strides = array<i32>} : memref<16384xf32, #tpu.memory_space<vmem>>, vector<16xf32>,
      } {sc.loop_unroll_factor = 8 : i64, sc.parallel_access}
      %add3A_44 = arith.constant 0 : i32
      %add3A_45 = arith.addi %mul3A_2, %add3A_44 : i32
      %mul3A_46 = arith.constant 200 : i32
      %mul3A_47 = arith.muli %add3A_45, %mul3A_46 : i32
      %dma_wait3A_48 = tpu.memref_slice %arg2[%mul3A_47] : memref<819200xi32, #tpu.memory_space<hbm>> -> memref<3200xi32, #tpu.memory_space<hbm>>
      %dma_wait3A_49 = tpu.memref_slice %arg2[%mul3A_47] : memref<819200xi32, #tpu.memory_space<hbm>> -> memref<3200xi32, #tpu.memory_space<hbm>>
      tpu.wait_dma2 semaphore(%arg8 : memref<!tpu.dma_semaphore, #tpu.memory_space<semaphore_mem>>) src(%dma_wait3A_49 : memref<3200xi32, #tpu.memory_space<hbm>>) dst(%arg4 : memref<3200xi32, #tpu.memory_space<vmem>>)
      %add3A_50 = arith.constant 1 : i32
      %add3A_51 = arith.addi %add3A_39, %add3A_50 : i32
      %lt3A = arith.constant 8 : i32
      %lt3A_52 = arith.cmpi slt, %add3A_51, %lt3A : i32
      %convert_element_type3A_53 = arith.extui %lt3A_52 : i1 to i32
      %cond3A_54 = arith.constant 0 : i32
      %cond3A_55 = arith.cmpi ne, %convert_element_type3A_53, %cond3A_54 : i32
      scf.if %cond3A_55 {
        %add3A_102 = arith.constant 1 : i32
        %add3A_103 = arith.addi %add3A_39, %add3A_102 : i32
        %mul3A_104 = arith.constant 16 : i32
        %mul3A_105 = arith.muli %add3A_103, %mul3A_104 : i32
        %add3A_106 = arith.addi %mul3A_2, %mul3A_105 : i32
        %mul3A_107 = arith.constant 200 : i32
        %mul3A_108 = arith.muli %add3A_106, %mul3A_107 : i32
        %dma_start3A_109 = tpu.memref_slice %arg2[%mul3A_108] : memref<819200xi32, #tpu.memory_space<hbm>> -> memref<3200xi32, #tpu.memory_space<hbm>>
        %dma_start3A_110 = tpu.memref_slice %arg2[%mul3A_108] : memref<819200xi32, #tpu.memory_space<hbm>> -> memref<3200xi32, #tpu.memory_space<hbm>>
        tpu.enqueue_dma source(%dma_start3A_110 : memref<3200xi32, #tpu.memory_space<hbm>>) target(%arg5 : memref<3200xi32, #tpu.memory_space<vmem>>) target_semaphore(%arg9 : memref<!tpu.dma_semaphore, #tpu.memory_space<semaphore_mem>>)
      } else {
      }
      %parallel_loop3A_56 = arith.constant 0 : i32
      %parallel_loop3A_57 = arith.constant 200 : i32
      %parallel_loop3A_58 = arith.constant 1 : i32
      scf.for %parallel_loop3A_102 = %parallel_loop3A_56 to %parallel_loop3A_57 step %parallel_loop3A_58  : i32 {
        %parallel_loop3A_103 = vector.broadcast %parallel_loop3A_102 : i32 to vector<16xi32>
        %parallel_loop3A_104 = arith.addi %mul3A_5, %parallel_loop3A_103 : vector<16xi32>
        %parallel_loop3A_105 = tpu.vector_load_idx %arg4[%parallel_loop3A_104] : memref<3200xi32, #tpu.memory_space<vmem>>[vector<16xi32>], vector<16xi32>,
        %parallel_loop3A_106 = arith.addi %parallel_loop3A_105, %mul3A_8 : vector<16xi32>
        tpu.vector_store_idx %arg6[%parallel_loop3A_106], %broadcast_in_dim3A_9 {add = true} : memref<16384xf32, #tpu.memory_space<vmem>>[vector<16xi32>], vector<16xf32>,
      } {sc.loop_unroll_factor = 8 : i64, sc.parallel_access}
      %mul3A_59 = arith.constant 16 : i32
      %mul3A_60 = arith.muli %add3A_39, %mul3A_59 : i32
      %add3A_61 = arith.addi %mul3A_2, %mul3A_60 : i32
      %mul3A_62 = arith.constant 1024 : i32
      %mul3A_63 = arith.muli %add3A_61, %mul3A_62 : i32
      %dma_start3A_64 = tpu.memref_slice %arg3[%mul3A_63] : memref<4194304xf32, #tpu.memory_space<hbm>> -> memref<16384xf32, #tpu.memory_space<hbm>>
      %dma_start3A_65 = tpu.memref_slice %arg3[%mul3A_63] : memref<4194304xf32, #tpu.memory_space<hbm>> -> memref<16384xf32, #tpu.memory_space<hbm>>
      tpu.enqueue_dma source(%arg6 : memref<16384xf32, #tpu.memory_space<vmem>>) target(%dma_start3A_65 : memref<16384xf32, #tpu.memory_space<hbm>>) target_semaphore(%arg10 : memref<!tpu.dma_semaphore, #tpu.memory_space<semaphore_mem>>)
      %mul3A_66 = arith.constant 2 : i32
      %mul3A_67 = arith.muli %mul3A_66, %scan3A_34 : i32
      %add3A_68 = arith.constant 1 : i32
      %add3A_69 = arith.addi %mul3A_67, %add3A_68 : i32
      %ge3A_70 = arith.constant 2 : i32
      %ge3A_71 = arith.cmpi sge, %add3A_69, %ge3A_70 : i32
      %convert_element_type3A_72 = arith.extui %ge3A_71 : i1 to i32
      %cond3A_73 = arith.constant 0 : i32
      %cond3A_74 = arith.cmpi ne, %convert_element_type3A_72, %cond3A_73 : i32
      scf.if %cond3A_74 {
        %add3A_102 = arith.constant 0 : i32
        %add3A_103 = arith.addi %mul3A_2, %add3A_102 : i32
        %mul3A_104 = arith.constant 1024 : i32
        %mul3A_105 = arith.muli %add3A_103, %mul3A_104 : i32
        %dma_wait3A_106 = tpu.memref_slice %arg3[%mul3A_105] : memref<4194304xf32, #tpu.memory_space<hbm>> -> memref<16384xf32, #tpu.memory_space<hbm>>
        %dma_wait3A_107 = tpu.memref_slice %arg3[%mul3A_105] : memref<4194304xf32, #tpu.memory_space<hbm>> -> memref<16384xf32, #tpu.memory_space<hbm>>
        tpu.wait_dma2 semaphore(%arg11 : memref<!tpu.dma_semaphore, #tpu.memory_space<semaphore_mem>>) src(%arg7 : memref<16384xf32, #tpu.memory_space<vmem>>) dst(%dma_wait3A_107 : memref<16384xf32, #tpu.memory_space<hbm>>)
      } else {
      }
      %parallel_loop3A_75 = arith.constant 0 : i32
      %parallel_loop3A_76 = arith.constant 1024 : i32
      %parallel_loop3A_77 = arith.constant 1 : i32
      scf.for %parallel_loop3A_102 = %parallel_loop3A_75 to %parallel_loop3A_76 step %parallel_loop3A_77  : i32 {
        %parallel_loop3A_103 = arith.constant 16 : i32
        %parallel_loop3A_104 = arith.muli %parallel_loop3A_102, %parallel_loop3A_103 : i32
        %parallel_loop3A_105 = arith.index_cast %parallel_loop3A_104 : i32 to index
        %parallel_loop3A_106 = tpu.vector_load %arg7[%parallel_loop3A_105] {strides = array<i32>} : memref<16384xf32, #tpu.memory_space<vmem>>, vector<16xf32>,
        tpu.vector_store %arg7[%parallel_loop3A_105], %broadcast_in_dim3A_11 {strides = array<i32>} : memref<16384xf32, #tpu.memory_space<vmem>>, vector<16xf32>,
      } {sc.loop_unroll_factor = 8 : i64, sc.parallel_access}
      %add3A_78 = arith.constant 0 : i32
      %add3A_79 = arith.addi %mul3A_2, %add3A_78 : i32
      %mul3A_80 = arith.constant 200 : i32
      %mul3A_81 = arith.muli %add3A_79, %mul3A_80 : i32
      %dma_wait3A_82 = tpu.memref_slice %arg2[%mul3A_81] : memref<819200xi32, #tpu.memory_space<hbm>> -> memref<3200xi32, #tpu.memory_space<hbm>>
      %dma_wait3A_83 = tpu.memref_slice %arg2[%mul3A_81] : memref<819200xi32, #tpu.memory_space<hbm>> -> memref<3200xi32, #tpu.memory_space<hbm>>
      tpu.wait_dma2 semaphore(%arg9 : memref<!tpu.dma_semaphore, #tpu.memory_space<semaphore_mem>>) src(%dma_wait3A_83 : memref<3200xi32, #tpu.memory_space<hbm>>) dst(%arg5 : memref<3200xi32, #tpu.memory_space<vmem>>)
      %add3A_84 = arith.constant 1 : i32
      %add3A_85 = arith.addi %add3A_69, %add3A_84 : i32
      %lt3A_86 = arith.constant 8 : i32
      %lt3A_87 = arith.cmpi slt, %add3A_85, %lt3A_86 : i32
      %convert_element_type3A_88 = arith.extui %lt3A_87 : i1 to i32
      %cond3A_89 = arith.constant 0 : i32
      %cond3A_90 = arith.cmpi ne, %convert_element_type3A_88, %cond3A_89 : i32
      scf.if %cond3A_90 {
        %add3A_102 = arith.constant 1 : i32
        %add3A_103 = arith.addi %add3A_69, %add3A_102 : i32
        %mul3A_104 = arith.constant 16 : i32
        %mul3A_105 = arith.muli %add3A_103, %mul3A_104 : i32
        %add3A_106 = arith.addi %mul3A_2, %mul3A_105 : i32
        %mul3A_107 = arith.constant 200 : i32
        %mul3A_108 = arith.muli %add3A_106, %mul3A_107 : i32
        %dma_start3A_109 = tpu.memref_slice %arg2[%mul3A_108] : memref<819200xi32, #tpu.memory_space<hbm>> -> memref<3200xi32, #tpu.memory_space<hbm>>
        %dma_start3A_110 = tpu.memref_slice %arg2[%mul3A_108] : memref<819200xi32, #tpu.memory_space<hbm>> -> memref<3200xi32, #tpu.memory_space<hbm>>
        tpu.enqueue_dma source(%dma_start3A_110 : memref<3200xi32, #tpu.memory_space<hbm>>) target(%arg4 : memref<3200xi32, #tpu.memory_space<vmem>>) target_semaphore(%arg8 : memref<!tpu.dma_semaphore, #tpu.memory_space<semaphore_mem>>)
      } else {
      }
      %parallel_loop3A_91 = arith.constant 0 : i32
      %parallel_loop3A_92 = arith.constant 200 : i32
      %parallel_loop3A_93 = arith.constant 1 : i32
      scf.for %parallel_loop3A_102 = %parallel_loop3A_91 to %parallel_loop3A_92 step %parallel_loop3A_93  : i32 {
        %parallel_loop3A_103 = vector.broadcast %parallel_loop3A_102 : i32 to vector<16xi32>
        %parallel_loop3A_104 = arith.addi %mul3A_5, %parallel_loop3A_103 : vector<16xi32>
        %parallel_loop3A_105 = tpu.vector_load_idx %arg5[%parallel_loop3A_104] : memref<3200xi32, #tpu.memory_space<vmem>>[vector<16xi32>], vector<16xi32>,
        %parallel_loop3A_106 = arith.addi %parallel_loop3A_105, %mul3A_8 : vector<16xi32>
        tpu.vector_store_idx %arg7[%parallel_loop3A_106], %broadcast_in_dim3A_9 {add = true} : memref<16384xf32, #tpu.memory_space<vmem>>[vector<16xi32>], vector<16xf32>,
      } {sc.loop_unroll_factor = 8 : i64, sc.parallel_access}
      %mul3A_94 = arith.constant 16 : i32
      %mul3A_95 = arith.muli %add3A_69, %mul3A_94 : i32
      %add3A_96 = arith.addi %mul3A_2, %mul3A_95 : i32
      %mul3A_97 = arith.constant 1024 : i32
      %mul3A_98 = arith.muli %add3A_96, %mul3A_97 : i32
      %dma_start3A_99 = tpu.memref_slice %arg3[%mul3A_98] : memref<4194304xf32, #tpu.memory_space<hbm>> -> memref<16384xf32, #tpu.memory_space<hbm>>
      %dma_start3A_100 = tpu.memref_slice %arg3[%mul3A_98] : memref<4194304xf32, #tpu.memory_space<hbm>> -> memref<16384xf32, #tpu.memory_space<hbm>>
      tpu.enqueue_dma source(%arg7 : memref<16384xf32, #tpu.memory_space<vmem>>) target(%dma_start3A_100 : memref<16384xf32, #tpu.memory_space<hbm>>) target_semaphore(%arg11 : memref<!tpu.dma_semaphore, #tpu.memory_space<semaphore_mem>>)
      %scan3A_101 = arith.constant 0 : i32
      scf.yield %scan3A_101 : i32
    }
    %scan3A_22 = arith.constant 4 : i32
    %add3A_23 = arith.constant 0 : i32
    %add3A_24 = arith.addi %mul3A_2, %add3A_23 : i32
    %mul3A_25 = arith.constant 1024 : i32
    %mul3A_26 = arith.muli %add3A_24, %mul3A_25 : i32
    %dma_wait3A = tpu.memref_slice %arg3[%mul3A_26] : memref<4194304xf32, #tpu.memory_space<hbm>> -> memref<16384xf32, #tpu.memory_space<hbm>>
    %dma_wait3A_27 = tpu.memref_slice %arg3[%mul3A_26] : memref<4194304xf32, #tpu.memory_space<hbm>> -> memref<16384xf32, #tpu.memory_space<hbm>>
    tpu.wait_dma2 semaphore(%arg10 : memref<!tpu.dma_semaphore, #tpu.memory_space<semaphore_mem>>) src(%arg6 : memref<16384xf32, #tpu.memory_space<vmem>>) dst(%dma_wait3A_27 : memref<16384xf32, #tpu.memory_space<hbm>>)
    %add3A_28 = arith.constant 0 : i32
    %add3A_29 = arith.addi %mul3A_2, %add3A_28 : i32
    %mul3A_30 = arith.constant 1024 : i32
    %mul3A_31 = arith.muli %add3A_29, %mul3A_30 : i32
    %dma_wait3A_32 = tpu.memref_slice %arg3[%mul3A_31] : memref<4194304xf32, #tpu.memory_space<hbm>> -> memref<16384xf32, #tpu.memory_space<hbm>>
    %dma_wait3A_33 = tpu.memref_slice %arg3[%mul3A_31] : memref<4194304xf32, #tpu.memory_space<hbm>> -> memref<16384xf32, #tpu.memory_space<hbm>>
    tpu.wait_dma2 semaphore(%arg11 : memref<!tpu.dma_semaphore, #tpu.memory_space<semaphore_mem>>) src(%arg7 : memref<16384xf32, #tpu.memory_space<vmem>>) dst(%dma_wait3A_33 : memref<16384xf32, #tpu.memory_space<hbm>>)
    return
  }
}

#map = affine_map<(d0, d1) -> (0)>
module attributes {stable_mosaic.version = 14 : i64} {
  func.func @_hist_body(%arg0: i32, %arg1: i32, %arg2: memref<819200xi32, #tpu.memory_space<hbm>>, %arg3: memref<4194304xf32, #tpu.memory_space<hbm>>, %arg4: memref<3200xi32, #tpu.memory_space<vmem>>, %arg5: memref<3200xi32, #tpu.memory_space<vmem>>, %arg6: memref<16384xf32, #tpu.memory_space<vmem>>, %arg7: memref<16384xf32, #tpu.memory_space<vmem>>, %arg8: memref<!tpu.dma_semaphore, #tpu.memory_space<semaphore_mem>>, %arg9: memref<!tpu.dma_semaphore, #tpu.memory_space<semaphore_mem>>, %arg10: memref<!tpu.dma_semaphore, #tpu.memory_space<semaphore_mem>>, %arg11: memref<!tpu.dma_semaphore, #tpu.memory_space<semaphore_mem>>) attributes {dimension_semantics = [#tpu.dimension_semantics<core_parallel>, #tpu.dimension_semantics<subcore_parallel>], iteration_bounds = array<i64: 2, 16>, scalar_prefetch = 0 : i64, scratch_operands = 8 : i64, tpu.core_type = #tpu.core_type<sc_vector_subcore>, window_params = [{transform_indices = #map}, {transform_indices = #map}]} {
    %mul3A = arith.constant 2 : i32
    %mul3A_0 = arith.muli %arg1, %mul3A : i32
    %add3A = arith.addi %mul3A_0, %arg0 : i32
    %mul3A_1 = arith.constant 128 : i32
    %mul3A_2 = arith.muli %add3A, %mul3A_1 : i32
    %iota3A = tpu.iota {dimensions = array<i32: 0>} : vector<16xi32>
    %mul3A_3 = arith.constant 200 : i32
    %mul3A_4 = vector.broadcast %mul3A_3 : i32 to vector<16xi32>
    %mul3A_5 = arith.muli %iota3A, %mul3A_4 : vector<16xi32>
    %mul3A_6 = arith.constant 1024 : i32
    %mul3A_7 = vector.broadcast %mul3A_6 : i32 to vector<16xi32>
    %mul3A_8 = arith.muli %iota3A, %mul3A_7 : vector<16xi32>
    %broadcast_in_dim3A = arith.constant 1.000000e+00 : f32
    %broadcast_in_dim3A_9 = vector.broadcast %broadcast_in_dim3A : f32 to vector<16xf32>
    %broadcast_in_dim3A_10 = arith.constant 0.000000e+00 : f32
    %broadcast_in_dim3A_11 = vector.broadcast %broadcast_in_dim3A_10 : f32 to vector<16xf32>
    %add3A_12 = arith.constant 0 : i32
    %add3A_13 = arith.addi %mul3A_2, %add3A_12 : i32
    %mul3A_14 = arith.constant 200 : i32
    %mul3A_15 = arith.muli %add3A_13, %mul3A_14 : i32
    %dma_start3A = tpu.memref_slice %arg2[%mul3A_15] : memref<819200xi32, #tpu.memory_space<hbm>> -> memref<3200xi32, #tpu.memory_space<hbm>>
    %dma_start3A_16 = tpu.memref_slice %arg2[%mul3A_15] : memref<819200xi32, #tpu.memory_space<hbm>> -> memref<3200xi32, #tpu.memory_space<hbm>>
    tpu.enqueue_dma source(%dma_start3A_16 : memref<3200xi32, #tpu.memory_space<hbm>>) target(%arg4 : memref<3200xi32, #tpu.memory_space<vmem>>) target_semaphore(%arg8 : memref<!tpu.dma_semaphore, #tpu.memory_space<semaphore_mem>>)
    %scan3A = arith.constant 0 : i32
    %scan3A_17 = arith.constant 0 : i32
    %scan3A_18 = arith.constant 4 : i32
    %scan3A_19 = arith.addi %scan3A_17, %scan3A_18 : i32
    %scan3A_20 = arith.constant 1 : i32
    %scan3A_21 = scf.for %scan3A_34 = %scan3A_17 to %scan3A_19 step %scan3A_20 iter_args(%scan3A_35 = %scan3A) -> (i32)  : i32 {
      %mul3A_36 = arith.constant 2 : i32
      %mul3A_37 = arith.muli %mul3A_36, %scan3A_34 : i32
      %add3A_38 = arith.constant 0 : i32
      %add3A_39 = arith.addi %mul3A_37, %add3A_38 : i32
      %ge3A = arith.constant 2 : i32
      %ge3A_40 = arith.cmpi sge, %add3A_39, %ge3A : i32
      %convert_element_type3A = arith.extui %ge3A_40 : i1 to i32
      %cond3A = arith.constant 0 : i32
      %cond3A_41 = arith.cmpi ne, %convert_element_type3A, %cond3A : i32
      scf.if %cond3A_41 {
        %add3A_102 = arith.constant 0 : i32
        %add3A_103 = arith.addi %mul3A_2, %add3A_102 : i32
        %mul3A_104 = arith.constant 1024 : i32
        %mul3A_105 = arith.muli %add3A_103, %mul3A_104 : i32
        %dma_wait3A_106 = tpu.memref_slice %arg3[%mul3A_105] : memref<4194304xf32, #tpu.memory_space<hbm>> -> memref<16384xf32, #tpu.memory_space<hbm>>
        %dma_wait3A_107 = tpu.memref_slice %arg3[%mul3A_105] : memref<4194304xf32, #tpu.memory_space<hbm>> -> memref<16384xf32, #tpu.memory_space<hbm>>
        tpu.wait_dma2 semaphore(%arg10 : memref<!tpu.dma_semaphore, #tpu.memory_space<semaphore_mem>>) src(%arg6 : memref<16384xf32, #tpu.memory_space<vmem>>) dst(%dma_wait3A_107 : memref<16384xf32, #tpu.memory_space<hbm>>)
      } else {
      }
      %parallel_loop3A = arith.constant 0 : i32
      %parallel_loop3A_42 = arith.constant 1024 : i32
      %parallel_loop3A_43 = arith.constant 1 : i32
      scf.for %parallel_loop3A_102 = %parallel_loop3A to %parallel_loop3A_42 step %parallel_loop3A_43  : i32 {
        %parallel_loop3A_103 = arith.constant 16 : i32
        %parallel_loop3A_104 = arith.muli %parallel_loop3A_102, %parallel_loop3A_103 : i32
        %parallel_loop3A_105 = arith.index_cast %parallel_loop3A_104 : i32 to index
        %parallel_loop3A_106 = tpu.vector_load %arg6[%parallel_loop3A_105] {strides = array<i32>} : memref<16384xf32, #tpu.memory_space<vmem>>, vector<16xf32>,
        tpu.vector_store %arg6[%parallel_loop3A_105], %broadcast_in_dim3A_11 {strides = array<i32>} : memref<16384xf32, #tpu.memory_space<vmem>>, vector<16xf32>,
      } {sc.loop_unroll_factor = 8 : i64, sc.parallel_access}
      %add3A_44 = arith.constant 0 : i32
      %add3A_45 = arith.addi %mul3A_2, %add3A_44 : i32
      %mul3A_46 = arith.constant 200 : i32
      %mul3A_47 = arith.muli %add3A_45, %mul3A_46 : i32
      %dma_wait3A_48 = tpu.memref_slice %arg2[%mul3A_47] : memref<819200xi32, #tpu.memory_space<hbm>> -> memref<3200xi32, #tpu.memory_space<hbm>>
      %dma_wait3A_49 = tpu.memref_slice %arg2[%mul3A_47] : memref<819200xi32, #tpu.memory_space<hbm>> -> memref<3200xi32, #tpu.memory_space<hbm>>
      tpu.wait_dma2 semaphore(%arg8 : memref<!tpu.dma_semaphore, #tpu.memory_space<semaphore_mem>>) src(%dma_wait3A_49 : memref<3200xi32, #tpu.memory_space<hbm>>) dst(%arg4 : memref<3200xi32, #tpu.memory_space<vmem>>)
      %add3A_50 = arith.constant 1 : i32
      %add3A_51 = arith.addi %add3A_39, %add3A_50 : i32
      %lt3A = arith.constant 8 : i32
      %lt3A_52 = arith.cmpi slt, %add3A_51, %lt3A : i32
      %convert_element_type3A_53 = arith.extui %lt3A_52 : i1 to i32
      %cond3A_54 = arith.constant 0 : i32
      %cond3A_55 = arith.cmpi ne, %convert_element_type3A_53, %cond3A_54 : i32
      scf.if %cond3A_55 {
        %add3A_102 = arith.constant 1 : i32
        %add3A_103 = arith.addi %add3A_39, %add3A_102 : i32
        %mul3A_104 = arith.constant 16 : i32
        %mul3A_105 = arith.muli %add3A_103, %mul3A_104 : i32
        %add3A_106 = arith.addi %mul3A_2, %mul3A_105 : i32
        %mul3A_107 = arith.constant 200 : i32
        %mul3A_108 = arith.muli %add3A_106, %mul3A_107 : i32
        %dma_start3A_109 = tpu.memref_slice %arg2[%mul3A_108] : memref<819200xi32, #tpu.memory_space<hbm>> -> memref<3200xi32, #tpu.memory_space<hbm>>
        %dma_start3A_110 = tpu.memref_slice %arg2[%mul3A_108] : memref<819200xi32, #tpu.memory_space<hbm>> -> memref<3200xi32, #tpu.memory_space<hbm>>
        tpu.enqueue_dma source(%dma_start3A_110 : memref<3200xi32, #tpu.memory_space<hbm>>) target(%arg5 : memref<3200xi32, #tpu.memory_space<vmem>>) target_semaphore(%arg9 : memref<!tpu.dma_semaphore, #tpu.memory_space<semaphore_mem>>)
      } else {
      }
      %parallel_loop3A_56 = arith.constant 0 : i32
      %parallel_loop3A_57 = arith.constant 200 : i32
      %parallel_loop3A_58 = arith.constant 1 : i32
      scf.for %parallel_loop3A_102 = %parallel_loop3A_56 to %parallel_loop3A_57 step %parallel_loop3A_58  : i32 {
        %parallel_loop3A_103 = vector.broadcast %parallel_loop3A_102 : i32 to vector<16xi32>
        %parallel_loop3A_104 = arith.addi %mul3A_5, %parallel_loop3A_103 : vector<16xi32>
        %parallel_loop3A_105 = tpu.vector_load_idx %arg4[%parallel_loop3A_104] : memref<3200xi32, #tpu.memory_space<vmem>>[vector<16xi32>], vector<16xi32>,
        %parallel_loop3A_106 = arith.addi %parallel_loop3A_105, %mul3A_8 : vector<16xi32>
        tpu.vector_store_idx %arg6[%parallel_loop3A_106], %broadcast_in_dim3A_9 {add = true} : memref<16384xf32, #tpu.memory_space<vmem>>[vector<16xi32>], vector<16xf32>,
      } {sc.loop_unroll_factor = 8 : i64, sc.parallel_access}
      %mul3A_59 = arith.constant 16 : i32
      %mul3A_60 = arith.muli %add3A_39, %mul3A_59 : i32
      %add3A_61 = arith.addi %mul3A_2, %mul3A_60 : i32
      %mul3A_62 = arith.constant 1024 : i32
      %mul3A_63 = arith.muli %add3A_61, %mul3A_62 : i32
      %dma_start3A_64 = tpu.memref_slice %arg3[%mul3A_63] : memref<4194304xf32, #tpu.memory_space<hbm>> -> memref<16384xf32, #tpu.memory_space<hbm>>
      %dma_start3A_65 = tpu.memref_slice %arg3[%mul3A_63] : memref<4194304xf32, #tpu.memory_space<hbm>> -> memref<16384xf32, #tpu.memory_space<hbm>>
      tpu.enqueue_dma source(%arg6 : memref<16384xf32, #tpu.memory_space<vmem>>) target(%dma_start3A_65 : memref<16384xf32, #tpu.memory_space<hbm>>) target_semaphore(%arg10 : memref<!tpu.dma_semaphore, #tpu.memory_space<semaphore_mem>>)
      %mul3A_66 = arith.constant 2 : i32
      %mul3A_67 = arith.muli %mul3A_66, %scan3A_34 : i32
      %add3A_68 = arith.constant 1 : i32
      %add3A_69 = arith.addi %mul3A_67, %add3A_68 : i32
      %ge3A_70 = arith.constant 2 : i32
      %ge3A_71 = arith.cmpi sge, %add3A_69, %ge3A_70 : i32
      %convert_element_type3A_72 = arith.extui %ge3A_71 : i1 to i32
      %cond3A_73 = arith.constant 0 : i32
      %cond3A_74 = arith.cmpi ne, %convert_element_type3A_72, %cond3A_73 : i32
      scf.if %cond3A_74 {
        %add3A_102 = arith.constant 0 : i32
        %add3A_103 = arith.addi %mul3A_2, %add3A_102 : i32
        %mul3A_104 = arith.constant 1024 : i32
        %mul3A_105 = arith.muli %add3A_103, %mul3A_104 : i32
        %dma_wait3A_106 = tpu.memref_slice %arg3[%mul3A_105] : memref<4194304xf32, #tpu.memory_space<hbm>> -> memref<16384xf32, #tpu.memory_space<hbm>>
        %dma_wait3A_107 = tpu.memref_slice %arg3[%mul3A_105] : memref<4194304xf32, #tpu.memory_space<hbm>> -> memref<16384xf32, #tpu.memory_space<hbm>>
        tpu.wait_dma2 semaphore(%arg11 : memref<!tpu.dma_semaphore, #tpu.memory_space<semaphore_mem>>) src(%arg7 : memref<16384xf32, #tpu.memory_space<vmem>>) dst(%dma_wait3A_107 : memref<16384xf32, #tpu.memory_space<hbm>>)
      } else {
      }
      %parallel_loop3A_75 = arith.constant 0 : i32
      %parallel_loop3A_76 = arith.constant 1024 : i32
      %parallel_loop3A_77 = arith.constant 1 : i32
      scf.for %parallel_loop3A_102 = %parallel_loop3A_75 to %parallel_loop3A_76 step %parallel_loop3A_77  : i32 {
        %parallel_loop3A_103 = arith.constant 16 : i32
        %parallel_loop3A_104 = arith.muli %parallel_loop3A_102, %parallel_loop3A_103 : i32
        %parallel_loop3A_105 = arith.index_cast %parallel_loop3A_104 : i32 to index
        %parallel_loop3A_106 = tpu.vector_load %arg7[%parallel_loop3A_105] {strides = array<i32>} : memref<16384xf32, #tpu.memory_space<vmem>>, vector<16xf32>,
        tpu.vector_store %arg7[%parallel_loop3A_105], %broadcast_in_dim3A_11 {strides = array<i32>} : memref<16384xf32, #tpu.memory_space<vmem>>, vector<16xf32>,
      } {sc.loop_unroll_factor = 8 : i64, sc.parallel_access}
      %add3A_78 = arith.constant 0 : i32
      %add3A_79 = arith.addi %mul3A_2, %add3A_78 : i32
      %mul3A_80 = arith.constant 200 : i32
      %mul3A_81 = arith.muli %add3A_79, %mul3A_80 : i32
      %dma_wait3A_82 = tpu.memref_slice %arg2[%mul3A_81] : memref<819200xi32, #tpu.memory_space<hbm>> -> memref<3200xi32, #tpu.memory_space<hbm>>
      %dma_wait3A_83 = tpu.memref_slice %arg2[%mul3A_81] : memref<819200xi32, #tpu.memory_space<hbm>> -> memref<3200xi32, #tpu.memory_space<hbm>>
      tpu.wait_dma2 semaphore(%arg9 : memref<!tpu.dma_semaphore, #tpu.memory_space<semaphore_mem>>) src(%dma_wait3A_83 : memref<3200xi32, #tpu.memory_space<hbm>>) dst(%arg5 : memref<3200xi32, #tpu.memory_space<vmem>>)
      %add3A_84 = arith.constant 1 : i32
      %add3A_85 = arith.addi %add3A_69, %add3A_84 : i32
      %lt3A_86 = arith.constant 8 : i32
      %lt3A_87 = arith.cmpi slt, %add3A_85, %lt3A_86 : i32
      %convert_element_type3A_88 = arith.extui %lt3A_87 : i1 to i32
      %cond3A_89 = arith.constant 0 : i32
      %cond3A_90 = arith.cmpi ne, %convert_element_type3A_88, %cond3A_89 : i32
      scf.if %cond3A_90 {
        %add3A_102 = arith.constant 1 : i32
        %add3A_103 = arith.addi %add3A_69, %add3A_102 : i32
        %mul3A_104 = arith.constant 16 : i32
        %mul3A_105 = arith.muli %add3A_103, %mul3A_104 : i32
        %add3A_106 = arith.addi %mul3A_2, %mul3A_105 : i32
        %mul3A_107 = arith.constant 200 : i32
        %mul3A_108 = arith.muli %add3A_106, %mul3A_107 : i32
        %dma_start3A_109 = tpu.memref_slice %arg2[%mul3A_108] : memref<819200xi32, #tpu.memory_space<hbm>> -> memref<3200xi32, #tpu.memory_space<hbm>>
        %dma_start3A_110 = tpu.memref_slice %arg2[%mul3A_108] : memref<819200xi32, #tpu.memory_space<hbm>> -> memref<3200xi32, #tpu.memory_space<hbm>>
        tpu.enqueue_dma source(%dma_start3A_110 : memref<3200xi32, #tpu.memory_space<hbm>>) target(%arg4 : memref<3200xi32, #tpu.memory_space<vmem>>) target_semaphore(%arg8 : memref<!tpu.dma_semaphore, #tpu.memory_space<semaphore_mem>>)
      } else {
      }
      %parallel_loop3A_91 = arith.constant 0 : i32
      %parallel_loop3A_92 = arith.constant 200 : i32
      %parallel_loop3A_93 = arith.constant 1 : i32
      scf.for %parallel_loop3A_102 = %parallel_loop3A_91 to %parallel_loop3A_92 step %parallel_loop3A_93  : i32 {
        %parallel_loop3A_103 = vector.broadcast %parallel_loop3A_102 : i32 to vector<16xi32>
        %parallel_loop3A_104 = arith.addi %mul3A_5, %parallel_loop3A_103 : vector<16xi32>
        %parallel_loop3A_105 = tpu.vector_load_idx %arg5[%parallel_loop3A_104] : memref<3200xi32, #tpu.memory_space<vmem>>[vector<16xi32>], vector<16xi32>,
        %parallel_loop3A_106 = arith.addi %parallel_loop3A_105, %mul3A_8 : vector<16xi32>
        tpu.vector_store_idx %arg7[%parallel_loop3A_106], %broadcast_in_dim3A_9 {add = true} : memref<16384xf32, #tpu.memory_space<vmem>>[vector<16xi32>], vector<16xf32>,
      } {sc.loop_unroll_factor = 8 : i64, sc.parallel_access}
      %mul3A_94 = arith.constant 16 : i32
      %mul3A_95 = arith.muli %add3A_69, %mul3A_94 : i32
      %add3A_96 = arith.addi %mul3A_2, %mul3A_95 : i32
      %mul3A_97 = arith.constant 1024 : i32
      %mul3A_98 = arith.muli %add3A_96, %mul3A_97 : i32
      %dma_start3A_99 = tpu.memref_slice %arg3[%mul3A_98] : memref<4194304xf32, #tpu.memory_space<hbm>> -> memref<16384xf32, #tpu.memory_space<hbm>>
      %dma_start3A_100 = tpu.memref_slice %arg3[%mul3A_98] : memref<4194304xf32, #tpu.memory_space<hbm>> -> memref<16384xf32, #tpu.memory_space<hbm>>
      tpu.enqueue_dma source(%arg7 : memref<16384xf32, #tpu.memory_space<vmem>>) target(%dma_start3A_100 : memref<16384xf32, #tpu.memory_space<hbm>>) target_semaphore(%arg11 : memref<!tpu.dma_semaphore, #tpu.memory_space<semaphore_mem>>)
      %scan3A_101 = arith.constant 0 : i32
      scf.yield %scan3A_101 : i32
    }
    %scan3A_22 = arith.constant 4 : i32
    %add3A_23 = arith.constant 0 : i32
    %add3A_24 = arith.addi %mul3A_2, %add3A_23 : i32
    %mul3A_25 = arith.constant 1024 : i32
    %mul3A_26 = arith.muli %add3A_24, %mul3A_25 : i32
    %dma_wait3A = tpu.memref_slice %arg3[%mul3A_26] : memref<4194304xf32, #tpu.memory_space<hbm>> -> memref<16384xf32, #tpu.memory_space<hbm>>
    %dma_wait3A_27 = tpu.memref_slice %arg3[%mul3A_26] : memref<4194304xf32, #tpu.memory_space<hbm>> -> memref<16384xf32, #tpu.memory_space<hbm>>
    tpu.wait_dma2 semaphore(%arg10 : memref<!tpu.dma_semaphore, #tpu.memory_space<semaphore_mem>>) src(%arg6 : memref<16384xf32, #tpu.memory_space<vmem>>) dst(%dma_wait3A_27 : memref<16384xf32, #tpu.memory_space<hbm>>)
    %add3A_28 = arith.constant 0 : i32
    %add3A_29 = arith.addi %mul3A_2, %add3A_28 : i32
    %mul3A_30 = arith.constant 1024 : i32
    %mul3A_31 = arith.muli %add3A_29, %mul3A_30 : i32
    %dma_wait3A_32 = tpu.memref_slice %arg3[%mul3A_31] : memref<4194304xf32, #tpu.memory_space<hbm>> -> memref<16384xf32, #tpu.memory_space<hbm>>
    %dma_wait3A_33 = tpu.memref_slice %arg3[%mul3A_31] : memref<4194304xf32, #tpu.memory_space<hbm>> -> memref<16384xf32, #tpu.memory_space<hbm>>
    tpu.wait_dma2 semaphore(%arg11 : memref<!tpu.dma_semaphore, #tpu.memory_space<semaphore_mem>>) src(%arg7 : memref<16384xf32, #tpu.memory_space<vmem>>) dst(%dma_wait3A_33 : memref<16384xf32, #tpu.memory_space<hbm>>)
    return
  }
}

#map = affine_map<(d0, d1) -> (0)>
module attributes {stable_mosaic.version = 14 : i64} {
  func.func @_hist_body(%arg0: i32, %arg1: i32, %arg2: memref<819200xi32, #tpu.memory_space<hbm>>, %arg3: memref<4194304xf32, #tpu.memory_space<hbm>>, %arg4: memref<3200xi32, #tpu.memory_space<vmem>>, %arg5: memref<3200xi32, #tpu.memory_space<vmem>>, %arg6: memref<16384xf32, #tpu.memory_space<vmem>>, %arg7: memref<16384xf32, #tpu.memory_space<vmem>>, %arg8: memref<!tpu.dma_semaphore, #tpu.memory_space<semaphore_mem>>, %arg9: memref<!tpu.dma_semaphore, #tpu.memory_space<semaphore_mem>>, %arg10: memref<!tpu.dma_semaphore, #tpu.memory_space<semaphore_mem>>, %arg11: memref<!tpu.dma_semaphore, #tpu.memory_space<semaphore_mem>>) attributes {dimension_semantics = [#tpu.dimension_semantics<core_parallel>, #tpu.dimension_semantics<subcore_parallel>], iteration_bounds = array<i64: 2, 16>, scalar_prefetch = 0 : i64, scratch_operands = 8 : i64, tpu.core_type = #tpu.core_type<sc_vector_subcore>, window_params = [{transform_indices = #map}, {transform_indices = #map}]} {
    %mul3A = arith.constant 2 : i32
    %mul3A_0 = arith.muli %arg1, %mul3A : i32
    %add3A = arith.addi %mul3A_0, %arg0 : i32
    %mul3A_1 = arith.constant 128 : i32
    %mul3A_2 = arith.muli %add3A, %mul3A_1 : i32
    %iota3A = tpu.iota {dimensions = array<i32: 0>} : vector<16xi32>
    %mul3A_3 = arith.constant 200 : i32
    %mul3A_4 = vector.broadcast %mul3A_3 : i32 to vector<16xi32>
    %mul3A_5 = arith.muli %iota3A, %mul3A_4 : vector<16xi32>
    %mul3A_6 = arith.constant 1024 : i32
    %mul3A_7 = vector.broadcast %mul3A_6 : i32 to vector<16xi32>
    %mul3A_8 = arith.muli %iota3A, %mul3A_7 : vector<16xi32>
    %broadcast_in_dim3A = arith.constant 1.000000e+00 : f32
    %broadcast_in_dim3A_9 = vector.broadcast %broadcast_in_dim3A : f32 to vector<16xf32>
    %broadcast_in_dim3A_10 = arith.constant 0.000000e+00 : f32
    %broadcast_in_dim3A_11 = vector.broadcast %broadcast_in_dim3A_10 : f32 to vector<16xf32>
    %add3A_12 = arith.constant 0 : i32
    %add3A_13 = arith.addi %mul3A_2, %add3A_12 : i32
    %mul3A_14 = arith.constant 200 : i32
    %mul3A_15 = arith.muli %add3A_13, %mul3A_14 : i32
    %dma_start3A = tpu.memref_slice %arg2[%mul3A_15] : memref<819200xi32, #tpu.memory_space<hbm>> -> memref<3200xi32, #tpu.memory_space<hbm>>
    %dma_start3A_16 = tpu.memref_slice %arg2[%mul3A_15] : memref<819200xi32, #tpu.memory_space<hbm>> -> memref<3200xi32, #tpu.memory_space<hbm>>
    tpu.enqueue_dma source(%dma_start3A_16 : memref<3200xi32, #tpu.memory_space<hbm>>) target(%arg4 : memref<3200xi32, #tpu.memory_space<vmem>>) target_semaphore(%arg8 : memref<!tpu.dma_semaphore, #tpu.memory_space<semaphore_mem>>)
    %scan3A = arith.constant 0 : i32
    %scan3A_17 = arith.constant 0 : i32
    %scan3A_18 = arith.constant 4 : i32
    %scan3A_19 = arith.addi %scan3A_17, %scan3A_18 : i32
    %scan3A_20 = arith.constant 1 : i32
    %scan3A_21 = scf.for %scan3A_34 = %scan3A_17 to %scan3A_19 step %scan3A_20 iter_args(%scan3A_35 = %scan3A) -> (i32)  : i32 {
      %mul3A_36 = arith.constant 2 : i32
      %mul3A_37 = arith.muli %mul3A_36, %scan3A_34 : i32
      %add3A_38 = arith.constant 0 : i32
      %add3A_39 = arith.addi %mul3A_37, %add3A_38 : i32
      %ge3A = arith.constant 2 : i32
      %ge3A_40 = arith.cmpi sge, %add3A_39, %ge3A : i32
      %convert_element_type3A = arith.extui %ge3A_40 : i1 to i32
      %cond3A = arith.constant 0 : i32
      %cond3A_41 = arith.cmpi ne, %convert_element_type3A, %cond3A : i32
      scf.if %cond3A_41 {
        %add3A_102 = arith.constant 0 : i32
        %add3A_103 = arith.addi %mul3A_2, %add3A_102 : i32
        %mul3A_104 = arith.constant 1024 : i32
        %mul3A_105 = arith.muli %add3A_103, %mul3A_104 : i32
        %dma_wait3A_106 = tpu.memref_slice %arg3[%mul3A_105] : memref<4194304xf32, #tpu.memory_space<hbm>> -> memref<16384xf32, #tpu.memory_space<hbm>>
        %dma_wait3A_107 = tpu.memref_slice %arg3[%mul3A_105] : memref<4194304xf32, #tpu.memory_space<hbm>> -> memref<16384xf32, #tpu.memory_space<hbm>>
        tpu.wait_dma2 semaphore(%arg10 : memref<!tpu.dma_semaphore, #tpu.memory_space<semaphore_mem>>) src(%arg6 : memref<16384xf32, #tpu.memory_space<vmem>>) dst(%dma_wait3A_107 : memref<16384xf32, #tpu.memory_space<hbm>>)
      } else {
      }
      %parallel_loop3A = arith.constant 0 : i32
      %parallel_loop3A_42 = arith.constant 1024 : i32
      %parallel_loop3A_43 = arith.constant 1 : i32
      scf.for %parallel_loop3A_102 = %parallel_loop3A to %parallel_loop3A_42 step %parallel_loop3A_43  : i32 {
        %parallel_loop3A_103 = arith.constant 16 : i32
        %parallel_loop3A_104 = arith.muli %parallel_loop3A_102, %parallel_loop3A_103 : i32
        %parallel_loop3A_105 = arith.index_cast %parallel_loop3A_104 : i32 to index
        %parallel_loop3A_106 = tpu.vector_load %arg6[%parallel_loop3A_105] {strides = array<i32>} : memref<16384xf32, #tpu.memory_space<vmem>>, vector<16xf32>,
        tpu.vector_store %arg6[%parallel_loop3A_105], %broadcast_in_dim3A_11 {strides = array<i32>} : memref<16384xf32, #tpu.memory_space<vmem>>, vector<16xf32>,
      } {sc.loop_unroll_factor = 8 : i64, sc.parallel_access}
      %add3A_44 = arith.constant 0 : i32
      %add3A_45 = arith.addi %mul3A_2, %add3A_44 : i32
      %mul3A_46 = arith.constant 200 : i32
      %mul3A_47 = arith.muli %add3A_45, %mul3A_46 : i32
      %dma_wait3A_48 = tpu.memref_slice %arg2[%mul3A_47] : memref<819200xi32, #tpu.memory_space<hbm>> -> memref<3200xi32, #tpu.memory_space<hbm>>
      %dma_wait3A_49 = tpu.memref_slice %arg2[%mul3A_47] : memref<819200xi32, #tpu.memory_space<hbm>> -> memref<3200xi32, #tpu.memory_space<hbm>>
      tpu.wait_dma2 semaphore(%arg8 : memref<!tpu.dma_semaphore, #tpu.memory_space<semaphore_mem>>) src(%dma_wait3A_49 : memref<3200xi32, #tpu.memory_space<hbm>>) dst(%arg4 : memref<3200xi32, #tpu.memory_space<vmem>>)
      %add3A_50 = arith.constant 1 : i32
      %add3A_51 = arith.addi %add3A_39, %add3A_50 : i32
      %lt3A = arith.constant 8 : i32
      %lt3A_52 = arith.cmpi slt, %add3A_51, %lt3A : i32
      %convert_element_type3A_53 = arith.extui %lt3A_52 : i1 to i32
      %cond3A_54 = arith.constant 0 : i32
      %cond3A_55 = arith.cmpi ne, %convert_element_type3A_53, %cond3A_54 : i32
      scf.if %cond3A_55 {
        %add3A_102 = arith.constant 1 : i32
        %add3A_103 = arith.addi %add3A_39, %add3A_102 : i32
        %mul3A_104 = arith.constant 16 : i32
        %mul3A_105 = arith.muli %add3A_103, %mul3A_104 : i32
        %add3A_106 = arith.addi %mul3A_2, %mul3A_105 : i32
        %mul3A_107 = arith.constant 200 : i32
        %mul3A_108 = arith.muli %add3A_106, %mul3A_107 : i32
        %dma_start3A_109 = tpu.memref_slice %arg2[%mul3A_108] : memref<819200xi32, #tpu.memory_space<hbm>> -> memref<3200xi32, #tpu.memory_space<hbm>>
        %dma_start3A_110 = tpu.memref_slice %arg2[%mul3A_108] : memref<819200xi32, #tpu.memory_space<hbm>> -> memref<3200xi32, #tpu.memory_space<hbm>>
        tpu.enqueue_dma source(%dma_start3A_110 : memref<3200xi32, #tpu.memory_space<hbm>>) target(%arg5 : memref<3200xi32, #tpu.memory_space<vmem>>) target_semaphore(%arg9 : memref<!tpu.dma_semaphore, #tpu.memory_space<semaphore_mem>>)
      } else {
      }
      %parallel_loop3A_56 = arith.constant 0 : i32
      %parallel_loop3A_57 = arith.constant 200 : i32
      %parallel_loop3A_58 = arith.constant 1 : i32
      scf.for %parallel_loop3A_102 = %parallel_loop3A_56 to %parallel_loop3A_57 step %parallel_loop3A_58  : i32 {
        %parallel_loop3A_103 = vector.broadcast %parallel_loop3A_102 : i32 to vector<16xi32>
        %parallel_loop3A_104 = arith.addi %mul3A_5, %parallel_loop3A_103 : vector<16xi32>
        %parallel_loop3A_105 = tpu.vector_load_idx %arg4[%parallel_loop3A_104] : memref<3200xi32, #tpu.memory_space<vmem>>[vector<16xi32>], vector<16xi32>,
        %parallel_loop3A_106 = arith.addi %parallel_loop3A_105, %mul3A_8 : vector<16xi32>
        tpu.vector_store_idx %arg6[%parallel_loop3A_106], %broadcast_in_dim3A_9 {add = true} : memref<16384xf32, #tpu.memory_space<vmem>>[vector<16xi32>], vector<16xf32>,
      } {sc.loop_unroll_factor = 8 : i64, sc.parallel_access}
      %mul3A_59 = arith.constant 16 : i32
      %mul3A_60 = arith.muli %add3A_39, %mul3A_59 : i32
      %add3A_61 = arith.addi %mul3A_2, %mul3A_60 : i32
      %mul3A_62 = arith.constant 1024 : i32
      %mul3A_63 = arith.muli %add3A_61, %mul3A_62 : i32
      %dma_start3A_64 = tpu.memref_slice %arg3[%mul3A_63] : memref<4194304xf32, #tpu.memory_space<hbm>> -> memref<16384xf32, #tpu.memory_space<hbm>>
      %dma_start3A_65 = tpu.memref_slice %arg3[%mul3A_63] : memref<4194304xf32, #tpu.memory_space<hbm>> -> memref<16384xf32, #tpu.memory_space<hbm>>
      tpu.enqueue_dma source(%arg6 : memref<16384xf32, #tpu.memory_space<vmem>>) target(%dma_start3A_65 : memref<16384xf32, #tpu.memory_space<hbm>>) target_semaphore(%arg10 : memref<!tpu.dma_semaphore, #tpu.memory_space<semaphore_mem>>)
      %mul3A_66 = arith.constant 2 : i32
      %mul3A_67 = arith.muli %mul3A_66, %scan3A_34 : i32
      %add3A_68 = arith.constant 1 : i32
      %add3A_69 = arith.addi %mul3A_67, %add3A_68 : i32
      %ge3A_70 = arith.constant 2 : i32
      %ge3A_71 = arith.cmpi sge, %add3A_69, %ge3A_70 : i32
      %convert_element_type3A_72 = arith.extui %ge3A_71 : i1 to i32
      %cond3A_73 = arith.constant 0 : i32
      %cond3A_74 = arith.cmpi ne, %convert_element_type3A_72, %cond3A_73 : i32
      scf.if %cond3A_74 {
        %add3A_102 = arith.constant 0 : i32
        %add3A_103 = arith.addi %mul3A_2, %add3A_102 : i32
        %mul3A_104 = arith.constant 1024 : i32
        %mul3A_105 = arith.muli %add3A_103, %mul3A_104 : i32
        %dma_wait3A_106 = tpu.memref_slice %arg3[%mul3A_105] : memref<4194304xf32, #tpu.memory_space<hbm>> -> memref<16384xf32, #tpu.memory_space<hbm>>
        %dma_wait3A_107 = tpu.memref_slice %arg3[%mul3A_105] : memref<4194304xf32, #tpu.memory_space<hbm>> -> memref<16384xf32, #tpu.memory_space<hbm>>
        tpu.wait_dma2 semaphore(%arg11 : memref<!tpu.dma_semaphore, #tpu.memory_space<semaphore_mem>>) src(%arg7 : memref<16384xf32, #tpu.memory_space<vmem>>) dst(%dma_wait3A_107 : memref<16384xf32, #tpu.memory_space<hbm>>)
      } else {
      }
      %parallel_loop3A_75 = arith.constant 0 : i32
      %parallel_loop3A_76 = arith.constant 1024 : i32
      %parallel_loop3A_77 = arith.constant 1 : i32
      scf.for %parallel_loop3A_102 = %parallel_loop3A_75 to %parallel_loop3A_76 step %parallel_loop3A_77  : i32 {
        %parallel_loop3A_103 = arith.constant 16 : i32
        %parallel_loop3A_104 = arith.muli %parallel_loop3A_102, %parallel_loop3A_103 : i32
        %parallel_loop3A_105 = arith.index_cast %parallel_loop3A_104 : i32 to index
        %parallel_loop3A_106 = tpu.vector_load %arg7[%parallel_loop3A_105] {strides = array<i32>} : memref<16384xf32, #tpu.memory_space<vmem>>, vector<16xf32>,
        tpu.vector_store %arg7[%parallel_loop3A_105], %broadcast_in_dim3A_11 {strides = array<i32>} : memref<16384xf32, #tpu.memory_space<vmem>>, vector<16xf32>,
      } {sc.loop_unroll_factor = 8 : i64, sc.parallel_access}
      %add3A_78 = arith.constant 0 : i32
      %add3A_79 = arith.addi %mul3A_2, %add3A_78 : i32
      %mul3A_80 = arith.constant 200 : i32
      %mul3A_81 = arith.muli %add3A_79, %mul3A_80 : i32
      %dma_wait3A_82 = tpu.memref_slice %arg2[%mul3A_81] : memref<819200xi32, #tpu.memory_space<hbm>> -> memref<3200xi32, #tpu.memory_space<hbm>>
      %dma_wait3A_83 = tpu.memref_slice %arg2[%mul3A_81] : memref<819200xi32, #tpu.memory_space<hbm>> -> memref<3200xi32, #tpu.memory_space<hbm>>
      tpu.wait_dma2 semaphore(%arg9 : memref<!tpu.dma_semaphore, #tpu.memory_space<semaphore_mem>>) src(%dma_wait3A_83 : memref<3200xi32, #tpu.memory_space<hbm>>) dst(%arg5 : memref<3200xi32, #tpu.memory_space<vmem>>)
      %add3A_84 = arith.constant 1 : i32
      %add3A_85 = arith.addi %add3A_69, %add3A_84 : i32
      %lt3A_86 = arith.constant 8 : i32
      %lt3A_87 = arith.cmpi slt, %add3A_85, %lt3A_86 : i32
      %convert_element_type3A_88 = arith.extui %lt3A_87 : i1 to i32
      %cond3A_89 = arith.constant 0 : i32
      %cond3A_90 = arith.cmpi ne, %convert_element_type3A_88, %cond3A_89 : i32
      scf.if %cond3A_90 {
        %add3A_102 = arith.constant 1 : i32
        %add3A_103 = arith.addi %add3A_69, %add3A_102 : i32
        %mul3A_104 = arith.constant 16 : i32
        %mul3A_105 = arith.muli %add3A_103, %mul3A_104 : i32
        %add3A_106 = arith.addi %mul3A_2, %mul3A_105 : i32
        %mul3A_107 = arith.constant 200 : i32
        %mul3A_108 = arith.muli %add3A_106, %mul3A_107 : i32
        %dma_start3A_109 = tpu.memref_slice %arg2[%mul3A_108] : memref<819200xi32, #tpu.memory_space<hbm>> -> memref<3200xi32, #tpu.memory_space<hbm>>
        %dma_start3A_110 = tpu.memref_slice %arg2[%mul3A_108] : memref<819200xi32, #tpu.memory_space<hbm>> -> memref<3200xi32, #tpu.memory_space<hbm>>
        tpu.enqueue_dma source(%dma_start3A_110 : memref<3200xi32, #tpu.memory_space<hbm>>) target(%arg4 : memref<3200xi32, #tpu.memory_space<vmem>>) target_semaphore(%arg8 : memref<!tpu.dma_semaphore, #tpu.memory_space<semaphore_mem>>)
      } else {
      }
      %parallel_loop3A_91 = arith.constant 0 : i32
      %parallel_loop3A_92 = arith.constant 200 : i32
      %parallel_loop3A_93 = arith.constant 1 : i32
      scf.for %parallel_loop3A_102 = %parallel_loop3A_91 to %parallel_loop3A_92 step %parallel_loop3A_93  : i32 {
        %parallel_loop3A_103 = vector.broadcast %parallel_loop3A_102 : i32 to vector<16xi32>
        %parallel_loop3A_104 = arith.addi %mul3A_5, %parallel_loop3A_103 : vector<16xi32>
        %parallel_loop3A_105 = tpu.vector_load_idx %arg5[%parallel_loop3A_104] : memref<3200xi32, #tpu.memory_space<vmem>>[vector<16xi32>], vector<16xi32>,
        %parallel_loop3A_106 = arith.addi %parallel_loop3A_105, %mul3A_8 : vector<16xi32>
        tpu.vector_store_idx %arg7[%parallel_loop3A_106], %broadcast_in_dim3A_9 {add = true} : memref<16384xf32, #tpu.memory_space<vmem>>[vector<16xi32>], vector<16xf32>,
      } {sc.loop_unroll_factor = 8 : i64, sc.parallel_access}
      %mul3A_94 = arith.constant 16 : i32
      %mul3A_95 = arith.muli %add3A_69, %mul3A_94 : i32
      %add3A_96 = arith.addi %mul3A_2, %mul3A_95 : i32
      %mul3A_97 = arith.constant 1024 : i32
      %mul3A_98 = arith.muli %add3A_96, %mul3A_97 : i32
      %dma_start3A_99 = tpu.memref_slice %arg3[%mul3A_98] : memref<4194304xf32, #tpu.memory_space<hbm>> -> memref<16384xf32, #tpu.memory_space<hbm>>
      %dma_start3A_100 = tpu.memref_slice %arg3[%mul3A_98] : memref<4194304xf32, #tpu.memory_space<hbm>> -> memref<16384xf32, #tpu.memory_space<hbm>>
      tpu.enqueue_dma source(%arg7 : memref<16384xf32, #tpu.memory_space<vmem>>) target(%dma_start3A_100 : memref<16384xf32, #tpu.memory_space<hbm>>) target_semaphore(%arg11 : memref<!tpu.dma_semaphore, #tpu.memory_space<semaphore_mem>>)
      %scan3A_101 = arith.constant 0 : i32
      scf.yield %scan3A_101 : i32
    }
    %scan3A_22 = arith.constant 4 : i32
    %add3A_23 = arith.constant 0 : i32
    %add3A_24 = arith.addi %mul3A_2, %add3A_23 : i32
    %mul3A_25 = arith.constant 1024 : i32
    %mul3A_26 = arith.muli %add3A_24, %mul3A_25 : i32
    %dma_wait3A = tpu.memref_slice %arg3[%mul3A_26] : memref<4194304xf32, #tpu.memory_space<hbm>> -> memref<16384xf32, #tpu.memory_space<hbm>>
    %dma_wait3A_27 = tpu.memref_slice %arg3[%mul3A_26] : memref<4194304xf32, #tpu.memory_space<hbm>> -> memref<16384xf32, #tpu.memory_space<hbm>>
    tpu.wait_dma2 semaphore(%arg10 : memref<!tpu.dma_semaphore, #tpu.memory_space<semaphore_mem>>) src(%arg6 : memref<16384xf32, #tpu.memory_space<vmem>>) dst(%dma_wait3A_27 : memref<16384xf32, #tpu.memory_space<hbm>>)
    %add3A_28 = arith.constant 0 : i32
    %add3A_29 = arith.addi %mul3A_2, %add3A_28 : i32
    %mul3A_30 = arith.constant 1024 : i32
    %mul3A_31 = arith.muli %add3A_29, %mul3A_30 : i32
    %dma_wait3A_32 = tpu.memref_slice %arg3[%mul3A_31] : memref<4194304xf32, #tpu.memory_space<hbm>> -> memref<16384xf32, #tpu.memory_space<hbm>>
    %dma_wait3A_33 = tpu.memref_slice %arg3[%mul3A_31] : memref<4194304xf32, #tpu.memory_space<hbm>> -> memref<16384xf32, #tpu.memory_space<hbm>>
    tpu.wait_dma2 semaphore(%arg11 : memref<!tpu.dma_semaphore, #tpu.memory_space<semaphore_mem>>) src(%arg7 : memref<16384xf32, #tpu.memory_space<vmem>>) dst(%dma_wait3A_33 : memref<16384xf32, #tpu.memory_space<hbm>>)
    return
  }
}

#map = affine_map<(d0, d1) -> (0)>
module attributes {stable_mosaic.version = 14 : i64} {
  func.func @_hist_body(%arg0: i32, %arg1: i32, %arg2: memref<819200xi32, #tpu.memory_space<hbm>>, %arg3: memref<4194304xf32, #tpu.memory_space<hbm>>, %arg4: memref<3200xi32, #tpu.memory_space<vmem>>, %arg5: memref<3200xi32, #tpu.memory_space<vmem>>, %arg6: memref<16384xf32, #tpu.memory_space<vmem>>, %arg7: memref<16384xf32, #tpu.memory_space<vmem>>, %arg8: memref<!tpu.dma_semaphore, #tpu.memory_space<semaphore_mem>>, %arg9: memref<!tpu.dma_semaphore, #tpu.memory_space<semaphore_mem>>, %arg10: memref<!tpu.dma_semaphore, #tpu.memory_space<semaphore_mem>>, %arg11: memref<!tpu.dma_semaphore, #tpu.memory_space<semaphore_mem>>) attributes {dimension_semantics = [#tpu.dimension_semantics<core_parallel>, #tpu.dimension_semantics<subcore_parallel>], iteration_bounds = array<i64: 2, 16>, scalar_prefetch = 0 : i64, scratch_operands = 8 : i64, tpu.core_type = #tpu.core_type<sc_vector_subcore>, window_params = [{transform_indices = #map}, {transform_indices = #map}]} {
    %mul3A = arith.constant 2 : i32
    %mul3A_0 = arith.muli %arg1, %mul3A : i32
    %add3A = arith.addi %mul3A_0, %arg0 : i32
    %mul3A_1 = arith.constant 128 : i32
    %mul3A_2 = arith.muli %add3A, %mul3A_1 : i32
    %iota3A = tpu.iota {dimensions = array<i32: 0>} : vector<16xi32>
    %mul3A_3 = arith.constant 200 : i32
    %mul3A_4 = vector.broadcast %mul3A_3 : i32 to vector<16xi32>
    %mul3A_5 = arith.muli %iota3A, %mul3A_4 : vector<16xi32>
    %mul3A_6 = arith.constant 1024 : i32
    %mul3A_7 = vector.broadcast %mul3A_6 : i32 to vector<16xi32>
    %mul3A_8 = arith.muli %iota3A, %mul3A_7 : vector<16xi32>
    %broadcast_in_dim3A = arith.constant 1.000000e+00 : f32
    %broadcast_in_dim3A_9 = vector.broadcast %broadcast_in_dim3A : f32 to vector<16xf32>
    %broadcast_in_dim3A_10 = arith.constant 0.000000e+00 : f32
    %broadcast_in_dim3A_11 = vector.broadcast %broadcast_in_dim3A_10 : f32 to vector<16xf32>
    %add3A_12 = arith.constant 0 : i32
    %add3A_13 = arith.addi %mul3A_2, %add3A_12 : i32
    %mul3A_14 = arith.constant 200 : i32
    %mul3A_15 = arith.muli %add3A_13, %mul3A_14 : i32
    %dma_start3A = tpu.memref_slice %arg2[%mul3A_15] : memref<819200xi32, #tpu.memory_space<hbm>> -> memref<3200xi32, #tpu.memory_space<hbm>>
    %dma_start3A_16 = tpu.memref_slice %arg2[%mul3A_15] : memref<819200xi32, #tpu.memory_space<hbm>> -> memref<3200xi32, #tpu.memory_space<hbm>>
    tpu.enqueue_dma source(%dma_start3A_16 : memref<3200xi32, #tpu.memory_space<hbm>>) target(%arg4 : memref<3200xi32, #tpu.memory_space<vmem>>) target_semaphore(%arg8 : memref<!tpu.dma_semaphore, #tpu.memory_space<semaphore_mem>>)
    %scan3A = arith.constant 0 : i32
    %scan3A_17 = arith.constant 0 : i32
    %scan3A_18 = arith.constant 4 : i32
    %scan3A_19 = arith.addi %scan3A_17, %scan3A_18 : i32
    %scan3A_20 = arith.constant 1 : i32
    %scan3A_21 = scf.for %scan3A_34 = %scan3A_17 to %scan3A_19 step %scan3A_20 iter_args(%scan3A_35 = %scan3A) -> (i32)  : i32 {
      %mul3A_36 = arith.constant 2 : i32
      %mul3A_37 = arith.muli %mul3A_36, %scan3A_34 : i32
      %add3A_38 = arith.constant 0 : i32
      %add3A_39 = arith.addi %mul3A_37, %add3A_38 : i32
      %ge3A = arith.constant 2 : i32
      %ge3A_40 = arith.cmpi sge, %add3A_39, %ge3A : i32
      %convert_element_type3A = arith.extui %ge3A_40 : i1 to i32
      %cond3A = arith.constant 0 : i32
      %cond3A_41 = arith.cmpi ne, %convert_element_type3A, %cond3A : i32
      scf.if %cond3A_41 {
        %add3A_102 = arith.constant 0 : i32
        %add3A_103 = arith.addi %mul3A_2, %add3A_102 : i32
        %mul3A_104 = arith.constant 1024 : i32
        %mul3A_105 = arith.muli %add3A_103, %mul3A_104 : i32
        %dma_wait3A_106 = tpu.memref_slice %arg3[%mul3A_105] : memref<4194304xf32, #tpu.memory_space<hbm>> -> memref<16384xf32, #tpu.memory_space<hbm>>
        %dma_wait3A_107 = tpu.memref_slice %arg3[%mul3A_105] : memref<4194304xf32, #tpu.memory_space<hbm>> -> memref<16384xf32, #tpu.memory_space<hbm>>
        tpu.wait_dma2 semaphore(%arg10 : memref<!tpu.dma_semaphore, #tpu.memory_space<semaphore_mem>>) src(%arg6 : memref<16384xf32, #tpu.memory_space<vmem>>) dst(%dma_wait3A_107 : memref<16384xf32, #tpu.memory_space<hbm>>)
      } else {
      }
      %parallel_loop3A = arith.constant 0 : i32
      %parallel_loop3A_42 = arith.constant 1024 : i32
      %parallel_loop3A_43 = arith.constant 1 : i32
      scf.for %parallel_loop3A_102 = %parallel_loop3A to %parallel_loop3A_42 step %parallel_loop3A_43  : i32 {
        %parallel_loop3A_103 = arith.constant 16 : i32
        %parallel_loop3A_104 = arith.muli %parallel_loop3A_102, %parallel_loop3A_103 : i32
        %parallel_loop3A_105 = arith.index_cast %parallel_loop3A_104 : i32 to index
        %parallel_loop3A_106 = tpu.vector_load %arg6[%parallel_loop3A_105] {strides = array<i32>} : memref<16384xf32, #tpu.memory_space<vmem>>, vector<16xf32>,
        tpu.vector_store %arg6[%parallel_loop3A_105], %broadcast_in_dim3A_11 {strides = array<i32>} : memref<16384xf32, #tpu.memory_space<vmem>>, vector<16xf32>,
      } {sc.loop_unroll_factor = 8 : i64, sc.parallel_access}
      %add3A_44 = arith.constant 0 : i32
      %add3A_45 = arith.addi %mul3A_2, %add3A_44 : i32
      %mul3A_46 = arith.constant 200 : i32
      %mul3A_47 = arith.muli %add3A_45, %mul3A_46 : i32
      %dma_wait3A_48 = tpu.memref_slice %arg2[%mul3A_47] : memref<819200xi32, #tpu.memory_space<hbm>> -> memref<3200xi32, #tpu.memory_space<hbm>>
      %dma_wait3A_49 = tpu.memref_slice %arg2[%mul3A_47] : memref<819200xi32, #tpu.memory_space<hbm>> -> memref<3200xi32, #tpu.memory_space<hbm>>
      tpu.wait_dma2 semaphore(%arg8 : memref<!tpu.dma_semaphore, #tpu.memory_space<semaphore_mem>>) src(%dma_wait3A_49 : memref<3200xi32, #tpu.memory_space<hbm>>) dst(%arg4 : memref<3200xi32, #tpu.memory_space<vmem>>)
      %add3A_50 = arith.constant 1 : i32
      %add3A_51 = arith.addi %add3A_39, %add3A_50 : i32
      %lt3A = arith.constant 8 : i32
      %lt3A_52 = arith.cmpi slt, %add3A_51, %lt3A : i32
      %convert_element_type3A_53 = arith.extui %lt3A_52 : i1 to i32
      %cond3A_54 = arith.constant 0 : i32
      %cond3A_55 = arith.cmpi ne, %convert_element_type3A_53, %cond3A_54 : i32
      scf.if %cond3A_55 {
        %add3A_102 = arith.constant 1 : i32
        %add3A_103 = arith.addi %add3A_39, %add3A_102 : i32
        %mul3A_104 = arith.constant 16 : i32
        %mul3A_105 = arith.muli %add3A_103, %mul3A_104 : i32
        %add3A_106 = arith.addi %mul3A_2, %mul3A_105 : i32
        %mul3A_107 = arith.constant 200 : i32
        %mul3A_108 = arith.muli %add3A_106, %mul3A_107 : i32
        %dma_start3A_109 = tpu.memref_slice %arg2[%mul3A_108] : memref<819200xi32, #tpu.memory_space<hbm>> -> memref<3200xi32, #tpu.memory_space<hbm>>
        %dma_start3A_110 = tpu.memref_slice %arg2[%mul3A_108] : memref<819200xi32, #tpu.memory_space<hbm>> -> memref<3200xi32, #tpu.memory_space<hbm>>
        tpu.enqueue_dma source(%dma_start3A_110 : memref<3200xi32, #tpu.memory_space<hbm>>) target(%arg5 : memref<3200xi32, #tpu.memory_space<vmem>>) target_semaphore(%arg9 : memref<!tpu.dma_semaphore, #tpu.memory_space<semaphore_mem>>)
      } else {
      }
      %parallel_loop3A_56 = arith.constant 0 : i32
      %parallel_loop3A_57 = arith.constant 200 : i32
      %parallel_loop3A_58 = arith.constant 1 : i32
      scf.for %parallel_loop3A_102 = %parallel_loop3A_56 to %parallel_loop3A_57 step %parallel_loop3A_58  : i32 {
        %parallel_loop3A_103 = vector.broadcast %parallel_loop3A_102 : i32 to vector<16xi32>
        %parallel_loop3A_104 = arith.addi %mul3A_5, %parallel_loop3A_103 : vector<16xi32>
        %parallel_loop3A_105 = tpu.vector_load_idx %arg4[%parallel_loop3A_104] : memref<3200xi32, #tpu.memory_space<vmem>>[vector<16xi32>], vector<16xi32>,
        %parallel_loop3A_106 = arith.addi %parallel_loop3A_105, %mul3A_8 : vector<16xi32>
        tpu.vector_store_idx %arg6[%parallel_loop3A_106], %broadcast_in_dim3A_9 {add = true} : memref<16384xf32, #tpu.memory_space<vmem>>[vector<16xi32>], vector<16xf32>,
      } {sc.loop_unroll_factor = 8 : i64, sc.parallel_access}
      %mul3A_59 = arith.constant 16 : i32
      %mul3A_60 = arith.muli %add3A_39, %mul3A_59 : i32
      %add3A_61 = arith.addi %mul3A_2, %mul3A_60 : i32
      %mul3A_62 = arith.constant 1024 : i32
      %mul3A_63 = arith.muli %add3A_61, %mul3A_62 : i32
      %dma_start3A_64 = tpu.memref_slice %arg3[%mul3A_63] : memref<4194304xf32, #tpu.memory_space<hbm>> -> memref<16384xf32, #tpu.memory_space<hbm>>
      %dma_start3A_65 = tpu.memref_slice %arg3[%mul3A_63] : memref<4194304xf32, #tpu.memory_space<hbm>> -> memref<16384xf32, #tpu.memory_space<hbm>>
      tpu.enqueue_dma source(%arg6 : memref<16384xf32, #tpu.memory_space<vmem>>) target(%dma_start3A_65 : memref<16384xf32, #tpu.memory_space<hbm>>) target_semaphore(%arg10 : memref<!tpu.dma_semaphore, #tpu.memory_space<semaphore_mem>>)
      %mul3A_66 = arith.constant 2 : i32
      %mul3A_67 = arith.muli %mul3A_66, %scan3A_34 : i32
      %add3A_68 = arith.constant 1 : i32
      %add3A_69 = arith.addi %mul3A_67, %add3A_68 : i32
      %ge3A_70 = arith.constant 2 : i32
      %ge3A_71 = arith.cmpi sge, %add3A_69, %ge3A_70 : i32
      %convert_element_type3A_72 = arith.extui %ge3A_71 : i1 to i32
      %cond3A_73 = arith.constant 0 : i32
      %cond3A_74 = arith.cmpi ne, %convert_element_type3A_72, %cond3A_73 : i32
      scf.if %cond3A_74 {
        %add3A_102 = arith.constant 0 : i32
        %add3A_103 = arith.addi %mul3A_2, %add3A_102 : i32
        %mul3A_104 = arith.constant 1024 : i32
        %mul3A_105 = arith.muli %add3A_103, %mul3A_104 : i32
        %dma_wait3A_106 = tpu.memref_slice %arg3[%mul3A_105] : memref<4194304xf32, #tpu.memory_space<hbm>> -> memref<16384xf32, #tpu.memory_space<hbm>>
        %dma_wait3A_107 = tpu.memref_slice %arg3[%mul3A_105] : memref<4194304xf32, #tpu.memory_space<hbm>> -> memref<16384xf32, #tpu.memory_space<hbm>>
        tpu.wait_dma2 semaphore(%arg11 : memref<!tpu.dma_semaphore, #tpu.memory_space<semaphore_mem>>) src(%arg7 : memref<16384xf32, #tpu.memory_space<vmem>>) dst(%dma_wait3A_107 : memref<16384xf32, #tpu.memory_space<hbm>>)
      } else {
      }
      %parallel_loop3A_75 = arith.constant 0 : i32
      %parallel_loop3A_76 = arith.constant 1024 : i32
      %parallel_loop3A_77 = arith.constant 1 : i32
      scf.for %parallel_loop3A_102 = %parallel_loop3A_75 to %parallel_loop3A_76 step %parallel_loop3A_77  : i32 {
        %parallel_loop3A_103 = arith.constant 16 : i32
        %parallel_loop3A_104 = arith.muli %parallel_loop3A_102, %parallel_loop3A_103 : i32
        %parallel_loop3A_105 = arith.index_cast %parallel_loop3A_104 : i32 to index
        %parallel_loop3A_106 = tpu.vector_load %arg7[%parallel_loop3A_105] {strides = array<i32>} : memref<16384xf32, #tpu.memory_space<vmem>>, vector<16xf32>,
        tpu.vector_store %arg7[%parallel_loop3A_105], %broadcast_in_dim3A_11 {strides = array<i32>} : memref<16384xf32, #tpu.memory_space<vmem>>, vector<16xf32>,
      } {sc.loop_unroll_factor = 8 : i64, sc.parallel_access}
      %add3A_78 = arith.constant 0 : i32
      %add3A_79 = arith.addi %mul3A_2, %add3A_78 : i32
      %mul3A_80 = arith.constant 200 : i32
      %mul3A_81 = arith.muli %add3A_79, %mul3A_80 : i32
      %dma_wait3A_82 = tpu.memref_slice %arg2[%mul3A_81] : memref<819200xi32, #tpu.memory_space<hbm>> -> memref<3200xi32, #tpu.memory_space<hbm>>
      %dma_wait3A_83 = tpu.memref_slice %arg2[%mul3A_81] : memref<819200xi32, #tpu.memory_space<hbm>> -> memref<3200xi32, #tpu.memory_space<hbm>>
      tpu.wait_dma2 semaphore(%arg9 : memref<!tpu.dma_semaphore, #tpu.memory_space<semaphore_mem>>) src(%dma_wait3A_83 : memref<3200xi32, #tpu.memory_space<hbm>>) dst(%arg5 : memref<3200xi32, #tpu.memory_space<vmem>>)
      %add3A_84 = arith.constant 1 : i32
      %add3A_85 = arith.addi %add3A_69, %add3A_84 : i32
      %lt3A_86 = arith.constant 8 : i32
      %lt3A_87 = arith.cmpi slt, %add3A_85, %lt3A_86 : i32
      %convert_element_type3A_88 = arith.extui %lt3A_87 : i1 to i32
      %cond3A_89 = arith.constant 0 : i32
      %cond3A_90 = arith.cmpi ne, %convert_element_type3A_88, %cond3A_89 : i32
      scf.if %cond3A_90 {
        %add3A_102 = arith.constant 1 : i32
        %add3A_103 = arith.addi %add3A_69, %add3A_102 : i32
        %mul3A_104 = arith.constant 16 : i32
        %mul3A_105 = arith.muli %add3A_103, %mul3A_104 : i32
        %add3A_106 = arith.addi %mul3A_2, %mul3A_105 : i32
        %mul3A_107 = arith.constant 200 : i32
        %mul3A_108 = arith.muli %add3A_106, %mul3A_107 : i32
        %dma_start3A_109 = tpu.memref_slice %arg2[%mul3A_108] : memref<819200xi32, #tpu.memory_space<hbm>> -> memref<3200xi32, #tpu.memory_space<hbm>>
        %dma_start3A_110 = tpu.memref_slice %arg2[%mul3A_108] : memref<819200xi32, #tpu.memory_space<hbm>> -> memref<3200xi32, #tpu.memory_space<hbm>>
        tpu.enqueue_dma source(%dma_start3A_110 : memref<3200xi32, #tpu.memory_space<hbm>>) target(%arg4 : memref<3200xi32, #tpu.memory_space<vmem>>) target_semaphore(%arg8 : memref<!tpu.dma_semaphore, #tpu.memory_space<semaphore_mem>>)
      } else {
      }
      %parallel_loop3A_91 = arith.constant 0 : i32
      %parallel_loop3A_92 = arith.constant 200 : i32
      %parallel_loop3A_93 = arith.constant 1 : i32
      scf.for %parallel_loop3A_102 = %parallel_loop3A_91 to %parallel_loop3A_92 step %parallel_loop3A_93  : i32 {
        %parallel_loop3A_103 = vector.broadcast %parallel_loop3A_102 : i32 to vector<16xi32>
        %parallel_loop3A_104 = arith.addi %mul3A_5, %parallel_loop3A_103 : vector<16xi32>
        %parallel_loop3A_105 = tpu.vector_load_idx %arg5[%parallel_loop3A_104] : memref<3200xi32, #tpu.memory_space<vmem>>[vector<16xi32>], vector<16xi32>,
        %parallel_loop3A_106 = arith.addi %parallel_loop3A_105, %mul3A_8 : vector<16xi32>
        tpu.vector_store_idx %arg7[%parallel_loop3A_106], %broadcast_in_dim3A_9 {add = true} : memref<16384xf32, #tpu.memory_space<vmem>>[vector<16xi32>], vector<16xf32>,
      } {sc.loop_unroll_factor = 8 : i64, sc.parallel_access}
      %mul3A_94 = arith.constant 16 : i32
      %mul3A_95 = arith.muli %add3A_69, %mul3A_94 : i32
      %add3A_96 = arith.addi %mul3A_2, %mul3A_95 : i32
      %mul3A_97 = arith.constant 1024 : i32
      %mul3A_98 = arith.muli %add3A_96, %mul3A_97 : i32
      %dma_start3A_99 = tpu.memref_slice %arg3[%mul3A_98] : memref<4194304xf32, #tpu.memory_space<hbm>> -> memref<16384xf32, #tpu.memory_space<hbm>>
      %dma_start3A_100 = tpu.memref_slice %arg3[%mul3A_98] : memref<4194304xf32, #tpu.memory_space<hbm>> -> memref<16384xf32, #tpu.memory_space<hbm>>
      tpu.enqueue_dma source(%arg7 : memref<16384xf32, #tpu.memory_space<vmem>>) target(%dma_start3A_100 : memref<16384xf32, #tpu.memory_space<hbm>>) target_semaphore(%arg11 : memref<!tpu.dma_semaphore, #tpu.memory_space<semaphore_mem>>)
      %scan3A_101 = arith.constant 0 : i32
      scf.yield %scan3A_101 : i32
    }
    %scan3A_22 = arith.constant 4 : i32
    %add3A_23 = arith.constant 0 : i32
    %add3A_24 = arith.addi %mul3A_2, %add3A_23 : i32
    %mul3A_25 = arith.constant 1024 : i32
    %mul3A_26 = arith.muli %add3A_24, %mul3A_25 : i32
    %dma_wait3A = tpu.memref_slice %arg3[%mul3A_26] : memref<4194304xf32, #tpu.memory_space<hbm>> -> memref<16384xf32, #tpu.memory_space<hbm>>
    %dma_wait3A_27 = tpu.memref_slice %arg3[%mul3A_26] : memref<4194304xf32, #tpu.memory_space<hbm>> -> memref<16384xf32, #tpu.memory_space<hbm>>
    tpu.wait_dma2 semaphore(%arg10 : memref<!tpu.dma_semaphore, #tpu.memory_space<semaphore_mem>>) src(%arg6 : memref<16384xf32, #tpu.memory_space<vmem>>) dst(%dma_wait3A_27 : memref<16384xf32, #tpu.memory_space<hbm>>)
    %add3A_28 = arith.constant 0 : i32
    %add3A_29 = arith.addi %mul3A_2, %add3A_28 : i32
    %mul3A_30 = arith.constant 1024 : i32
    %mul3A_31 = arith.muli %add3A_29, %mul3A_30 : i32
    %dma_wait3A_32 = tpu.memref_slice %arg3[%mul3A_31] : memref<4194304xf32, #tpu.memory_space<hbm>> -> memref<16384xf32, #tpu.memory_space<hbm>>
    %dma_wait3A_33 = tpu.memref_slice %arg3[%mul3A_31] : memref<4194304xf32, #tpu.memory_space<hbm>> -> memref<16384xf32, #tpu.memory_space<hbm>>
    tpu.wait_dma2 semaphore(%arg11 : memref<!tpu.dma_semaphore, #tpu.memory_space<semaphore_mem>>) src(%arg7 : memref<16384xf32, #tpu.memory_space<vmem>>) dst(%dma_wait3A_33 : memref<16384xf32, #tpu.memory_space<hbm>>)
    return
  }
}

module attributes {stable_mosaic.version = 14 : i64} {
  func.func @_mm_body(%arg0: i32, %arg1: memref<1048576xf32, #tpu.memory_space<vmem>>, %arg2: memref<1024x128xbf16, #tpu.memory_space<vmem>>, %arg3: memref<1024x32xf32, #tpu.memory_space<vmem>>) attributes {dimension_semantics = [#tpu.dimension_semantics<arbitrary>], iteration_bounds = array<i64: 4>, scalar_prefetch = 0 : i64, scratch_operands = 0 : i64, tpu.core_type = #tpu.core_type<tc>, window_params = [{transform_indices = @transform_0, window_bounds = array<i64: 1048576>}, {pipeline_mode = #tpu.pipeline_mode<synchronous>, transform_indices = @transform_1, window_bounds = array<i64: 1024, 128>}, {transform_indices = @transform_2, window_bounds = array<i64: 1024, 32>}]} {
    %get3A = arith.constant 0 : index
    %get3A_0 = vector.load %arg1[%get3A] : memref<1048576xf32, #tpu.memory_space<vmem>>, vector<1048576xf32>
    %reshape3A = vector.shape_cast %get3A_0 : vector<1048576xf32> to vector<1024x1024xf32>
    %convert_element_type3A = arith.truncf %reshape3A : vector<1024x1024xf32> to vector<1024x1024xbf16>
    %get3A_1 = arith.constant 0 : index
    %get3A_2 = arith.constant 0 : index
    %get3A_3 = vector.load %arg2[%get3A_1, %get3A_2] : memref<1024x128xbf16, #tpu.memory_space<vmem>>, vector<1024x128xbf16>
    %dot_general3A = arith.constant dense<0.000000e+00> : vector<1024x128xf32>
    %dot_general3A_4 = tpu.matmul %convert_element_type3A, %get3A_3, %dot_general3A {dimension_numbers = #tpu.dot_dimension_numbers<[1], [0], [0], [1], [0, 0, 1, 1], [], []>, transpose_lhs_hint = false} : vector<1024x1024xbf16>, vector<1024x128xbf16>, vector<1024x128xf32> -> vector<1024x128xf32>
    %slice3A = vector.extract_strided_slice %dot_general3A_4 {offsets = [0, 0], sizes = [1024, 32], strides = [1, 1]} : vector<1024x128xf32> to vector<1024x32xf32>
    %slice3A_5 = vector.extract_strided_slice %dot_general3A_4 {offsets = [0, 32], sizes = [1024, 1], strides = [1, 1]} : vector<1024x128xf32> to vector<1024x1xf32>
    %div3A = vector.broadcast %slice3A_5 : vector<1024x1xf32> to vector<1024x32xf32>
    %div3A_6 = arith.divf %slice3A, %div3A : vector<1024x32xf32>
    %swap3A = arith.constant 0 : index
    %swap3A_7 = arith.constant 0 : index
    %swap3A_8 = vector.load %arg3[%swap3A, %swap3A_7] : memref<1024x32xf32, #tpu.memory_space<vmem>>, vector<1024x32xf32>
    tpu.vector_store %arg3[%swap3A, %swap3A_7], %div3A_6 {strides = array<i32>} : memref<1024x32xf32, #tpu.memory_space<vmem>>, vector<1024x32xf32>,
    return
  }
  func.func @transform_0(%arg0: i32) -> i32 {
    %c0_i32 = arith.constant 0 : i32
    return %arg0 : i32
  }
  func.func @transform_1(%arg0: i32) -> (i32, i32) {
    %c0_i32 = arith.constant 0 : i32
    %c0_i32_0 = arith.constant 0 : i32
    %c0_i32_1 = arith.constant 0 : i32
    return %c0_i32, %c0_i32_0 : i32, i32
  }
  func.func @transform_2(%arg0: i32) -> (i32, i32) {
    %c0_i32 = arith.constant 0 : i32
    %c0_i32_0 = arith.constant 0 : i32
    return %arg0, %c0_i32 : i32, i32
  }
}

</mosaic_0001>

<sc_bundles>
// kernel: _run.10.cloned.1.call-start
scs
__scs_entry_jumppad:
0x0: {  	(pc) =	sbr.rel $0x88, $3  }
0x1: {  	(tag) =	ssettag $0x0;
	lr =	simm.s32 $0x1  }
0x2: {  	[smem:$0x3F9F] =	sst lr;
	_ =	strace $0xD0000000  }
0x3: {  	_ = 	snop  }
0x4: {  	_ = 	snop  }
0x5: {  	_ = 	snop  }
0x6: {  	_ = 	snop  }
0x7: {  	_ = 	snop  }
__scs_overlays_trampoline_lowered:
0x8: {  	[smem:$0x3FAE] =	sst s0  }
0x9: {  	[smem:$0x3FAF] =	sst s1  }
0xa: {  	[smem:$0x3FB0] =	sst s2  }
0xb: {  	[smem:$0x3FB1] =	sst s3  }
0xc: {  	[smem:$0x3FB2] =	sst s4  }
0xd: {  	[smem:$0x3FB3] =	sst s5  }
0xe: {  	[smem:$0x3FB4] =	sst s6  }
0xf: {  	[smem:$0x3FB5] =	sst s7  }
0x10: {  	[smem:$0x3FB6] =	sst s8  }
0x11: {  	[smem:$0x3FB7] =	sst s9;
	s0 =	simm.s32 @!p0 $0x0  }
0x12: {  	s1 =	sld [smem:$0x3F9D];
	s0 =	simm.s32 @p0 $0x1  }
0x13: {  	[smem:$0x3FB8] =	sst s0;
	s0 =	simm.s32 @!p1 $0x0  }
0x14: {  	s2 =	sld [smem:$0x3F9C];
	s0 =	simm.s32 @p1 $0x1  }
0x15: {  	[smem:$0x3FB9] =	sst s0;
	s0 =	simm.s32 @!p2 $0x0  }
0x16: {  	s3 =	sld [smem:$0x3FDB];
	s0 =	simm.s32 @p2 $0x1  }
0x17: {  	s4 =	simm.s32 $0x1BF5;
	[smem:$0x3FBB] =	sst s0  }
0x18: {  	s0 =	sld [smem:$0x3F9E];
	_ =	swait.ge [sflag:s4], $0x0  }
0x19: {  	s7 =	sld [smem:$0x3F9F]  }
0x1a: {  	s8 =	sadd.s32 $0xFFFFE003, lr  }
0x1b: {  	s9 =	sadd.s32 $0xFFFFFEF7, lr;
	s5 =	simm.s32 $0xFFFFFFFF;
	p2 =	slt.u32 s8, $0xFFFFF086  }
0x1c: {  	p1 =	slt.u32 s9, $0xF7A;
	s5 =	simm.s32 @!p2 $0x0  }
0x1d: {  	s5 =	simm.s32 @p1 $0x1;
	p0 =	seq.s32 s7, s2  }
0x1e: {  	s7 =	smul.u32 @!p0 $0xF7A, s2;
	p2 =	seq.s32 @!p0 s5, $0x0  }
0x1f: {  	s9 =	smul.u32 $0xF7A, s1;
	s8 =	simm.s32 @!p0 $0x1BF5;
	p2 =	por !p2, p0  }
0x20: {  	[sflag:s8] =	ssyncset.s32 @!p0 $0xFFFFF086;
	s6 =	sadd.s32 @!p0 s3, s7;
	s7 =	simm.s32 @!p0 $0x108  }
0x21: {  	s3 =	sadd.s32 s3, s9;
	s6 =	sadd.s32 @!p0 $0x88, s6;
	s7 =	simm.s32 @p2 $0x1082  }
0x22: {  	[simem:s7], [sflag:s8] =	dma.local @!p0 [hbm:s6], $0xF7A  }
0x23: {  	s9 =	sor.u32 $0xD0000000, s2;
	s6 =	simm.s32 $0x108;
	_ =	swait.ge @!p0 [sflag:s8], $0x0  }
0x24: {  	s3 =	sadd.s32 $0x88, s3;
	s6 =	simm.s32 @!p1 $0x1082;
	[sflag:s4] =	ssyncset.s32 $0xFFFFF086  }
0x25: {  	[simem:s6], [sflag:s4] =	dma.local [hbm:s3], $0xF7A  }
0x26: {  	[smem:$0x3F9F] =	sst s1;
	(tag) =	ssettag s2;
	_ =	strace s9  }
0x27: {  	s1 =	sld [smem:$0x3FAF]  }
0x28: {  	s2 =	sld [smem:$0x3FB0]  }
0x29: {  	s4 =	sld [smem:$0x3FB2]  }
0x2a: {  	p0 =	seq.s32 s5, $0x0;
	s5 =	sld [smem:$0x3FB3]  }
0x2b: {  	s6 =	sld [smem:$0x3FB4]  }
0x2c: {  	s7 =	sld [smem:$0x3FB5]  }
0x2d: {  	s3 =	simm.s32 $0x108;
	s8 =	sld [smem:$0x3FB6]  }
0x2e: {  	s3 =	simm.s32 @!p0 $0x1082;
	s9 =	sld [smem:$0x3FB7]  }
0x2f: {  	lr =	sadd.s32 s0, s3;
	s0 =	sld [smem:$0x3FAE]  }
0x30: {  	s3 =	sld [smem:$0x3FB1]  }
0x31: {  	[smem:$0x3FBA] =	sst s10  }
0x32: {  	s10 =	sld [smem:$0x3FB8];
	_ =	sdelay $0x3  }
0x33: {  	p0 =	seq.s32 s10, $0x1;
	s10 =	sld [smem:$0x3FBA];
	_ =	sdelay $0x3  }
0x34: {  	[smem:$0x3FBA] =	sst s10  }
0x35: {  	s10 =	sld [smem:$0x3FB9];
	_ =	sdelay $0x3  }
0x36: {  	p1 =	seq.s32 s10, $0x1;
	s10 =	sld [smem:$0x3FBA];
	_ =	sdelay $0x3  }
0x37: {  	[smem:$0x3FBA] =	sst s10  }
0x38: {  	s10 =	sld [smem:$0x3FBB]  }
0x39: {  	_ = 	snop;
	(pc) =	sbr.ind lr, $3  }
0x3a: {  	_ = 	snop  }
0x3b: {  	_ = 	snop  }
0x3c: {  	p2 =	seq.s32 s10, $0x1;
	s10 =	sld [smem:$0x3FBA]  }
0x3d: {  	_ =	shalt  }
0x3e: {  	_ =	shalt  }
0x3f: {  	_ =	shalt  }
0x40: {  	_ =	shalt  }
0x41: {  	_ =	shalt  }
0x42: {  	_ =	shalt  }
0x43: {  	_ =	shalt  }
0x44: {  	_ =	shalt  }
0x45: {  	_ =	shalt  }
0x46: {  	_ =	shalt  }
0x47: {  	_ =	shalt  }
0x48: {  	_ =	shalt  }
0x49: {  	_ =	shalt  }
0x4a: {  	_ =	shalt  }
0x4b: {  	_ =	shalt  }
0x4c: {  	_ =	shalt  }
0x4d: {  	_ =	shalt  }
0x4e: {  	_ =	shalt  }
0x4f: {  	_ =	shalt  }
0x50: {  	_ =	shalt  }
0x51: {  	_ =	shalt  }
0x52: {  	_ =	shalt  }
0x53: {  	_ =	shalt  }
0x54: {  	_ =	shalt  }
0x55: {  	_ =	shalt  }
0x56: {  	_ =	shalt  }
0x57: {  	_ =	shalt  }
0x58: {  	_ =	shalt  }
0x59: {  	_ =	shalt  }
0x5a: {  	_ =	shalt  }
0x5b: {  	_ =	shalt  }
0x5c: {  	_ =	shalt  }
0x5d: {  	_ =	shalt  }
0x5e: {  	_ =	shalt  }
0x5f: {  	_ =	shalt  }
0x60: {  	_ =	shalt  }
0x61: {  	_ =	shalt  }
0x62: {  	_ =	shalt  }
0x63: {  	_ =	shalt  }
0x64: {  	_ =	shalt  }
0x65: {  	_ =	shalt  }
0x66: {  	_ =	shalt  }
0x67: {  	_ =	shalt  }
0x68: {  	_ =	shalt  }
0x69: {  	_ =	shalt  }
0x6a: {  	_ =	shalt  }
0x6b: {  	_ =	shalt  }
0x6c: {  	_ =	shalt  }
0x6d: {  	_ =	shalt  }
0x6e: {  	_ =	shalt  }
0x6f: {  	_ =	shalt  }
0x70: {  	_ =	shalt  }
0x71: {  	_ =	shalt  }
0x72: {  	_ =	shalt  }
0x73: {  	_ =	shalt  }
0x74: {  	_ =	shalt  }
0x75: {  	_ =	shalt  }
0x76: {  	_ =	shalt  }
0x77: {  	_ =	shalt  }
0x78: {  	_ =	shalt  }
0x79: {  	_ =	shalt  }
0x7a: {  	_ =	shalt  }
0x7b: {  	_ =	shalt  }
0x7c: {  	_ =	shalt  }
0x7d: {  	_ =	shalt  }
0x7e: {  	_ =	shalt  }
0x7f: {  	_ =	shalt  }
0x80: {  	_ =	shalt  }
0x81: {  	_ =	shalt  }
0x82: {  	_ =	shalt  }
0x83: {  	_ =	shalt  }
0x84: {  	_ =	shalt  }
0x85: {  	_ =	shalt  }
0x86: {  	_ =	shalt  }
0x87: {  	_ =	shalt  }
.Lfunc_end0:
.L_simem_size_0:
called_computation_lowered:
.L_overlay_start_0:
0x88: {  	s2 =	sld [smem:$0x3FD9]  }
0x89: {  	s3 =	sld [smem:$0x3FFE];
	_ =	sdelay $0x1  }
0x8a: {  	s1 =	srdreg.scid  }
0x8b: {  	s0 =	sand.u32 $0x1, s1  }
0x8c: {  	s17 =	sshll.u32 s0, $0xA;
	s2 =	sadd.s32 s3, s2  }
0x8d: {  	s2 =	sadd.s32 s2, s17  }
0x8e: {  	[smem:$0x3FC6] =	sst s2  }
0x8f: {  	_ = 	snop  }
0x90: {  	(tm) =	ssettm $0x1  }
0x91: {  	s18 =	sld [smem:$0x3FFB];
	_ =	sdelay $0x3  }
0x92: {  	_ =	strace s18  }
0x93: {  	s2 =	sld [smem:$0x3FFC];
	_ =	sdelay $0x3  }
0x94: {  	_ =	strace s2  }
0x95: {  	s2 =	sld [smem:$0x3FFD];
	_ =	sdelay $0x3  }
0x96: {  	_ =	strace s2  }
0x97: {  	_ =	strace $0x8FFFFFFF  }
0x98: {  	s19 =	sld [smem:$0x3FDB];
	_ =	sdelay $0x1  }
0x99: {  	s20 =	simm.s32 $_scs_section_size  }
0x9a: {  	s4 =	simm.s32 $_size__tile_overlayer_lowered;
	s5 =	simm.s32 $_tile_overlayer_lowered  }
0x9b: {  	s6 =	simm.s32 $0x1BFF;
	s21 =	sshll.u32 s5, $0x1;
	s3 =	sadd.s32 s20, s19  }
0x9c: {  	s22 =	simm.s32 $0x0;
	s4 =	sshll.u32 s4, $0x1;
	s5 =	sadd.s32 s21, s3  }
0x9d: {  	[timem:s22], [sflag:s6] =	dma.local [hbm:s5], s4  }
0x9e: {  	_ =	swait.ge [sflag:s6], s4  }
0x9f: {  	s4 =	ssub.s32 $0x0, s4;
	[sflag:s6] =	ssyncset.done $0x0  }
0xa0: {  	[sflag:s6] =	ssyncadd.s32 s4;
	_ =	sdelay $0x1  }
0xa1: {  	s23 =	simm.s32 $0x1B8B  }
0xa2: {  	_ =	swait.ge [sflag:s23], $0x1  }
0xa3: {  	[sflag:s23] =	ssyncset.done $0x0  }
0xa4: {  	[sflag:s23] =	ssyncadd.s32 $0xFFFFFFFF  }
0xa5: {  	s4 =	sld [smem:$0x0]  }
0xa6: {  	s5 =	sand.u32 $0xFFFFFFFE, s1  }
0xa7: {  	p0 =	sne.s32 s1, s5  }
0xa8: {  	s5 =	sshll.u32 @p0 s5, $0xE  }
0xa9: {  	s5 =	sadd.s32 @p0 $0x11B8D, s5;
	s6 =	sshll.u32 @p0 s4, $0x11  }
0xaa: {  	s5 =	sor.u32 @p0 s6, s5  }
0xab: {  	[sflag:s5] =	ssyncadd.remote.s32 @p0 $0x1;
	_ =	sdelay $0x1  }
0xac: {  	s5 =	simm.s32 @p0 $0x1B8D  }
0xad: {  	_ =	swait.eq @p0 [sflag:s5], $0x1  }
0xae: {  	[sflag:s5] =	ssyncadd.s32 @p0 $0xFFFFFFFF  }
0xaf: {  	s6 =	sshll.u32 @!p0 s1, $0xE  }
0xb0: {  	s6 =	sor.u32 @!p0 $0x4000, s6;
	s5 =	simm.s32 @!p0 $0x1B8D  }
0xb1: {  	s4 =	sshll.u32 @!p0 s4, $0x11;
	s6 =	sadd.s32 @!p0 $0x11B8D, s6;
	_ =	swait.eq @!p0 [sflag:s5], $0x1  }
0xb2: {  	s4 =	sor.u32 @!p0 s4, s6;
	[sflag:s5] =	ssyncadd.s32 @!p0 $0xFFFFFFFF  }
0xb3: {  	s25 =	simm.s32 $0x1B8E;
	s24 =	sld [smem:$0x3FFE];
	[sflag:s4] =	ssyncadd.remote.s32 @!p0 $0x1  }
0xb4: {  	s26 =	simm.s32 $execute0_lowered;
	[smem:$0x3FD2] =	sst s25  }
0xb5: {  	s5 =	sshll.u32 s26, $0x1;
	_ =	strace $0x8000004F;
	[dreg:$0x1] =	wrdreg $0xFFFFFFFF  }
0xb6: {  	s28 =	simm.s32 $_size_execute0_lowered;
	s3 =	sadd.s32 s3, s5;
	[dreg:$0x0] =	wrdreg $0x0  }
0xb7: {  	s5 =	sshll.u32 s28, $0x1;
	[dreg:$0x2] =	wrdreg s3  }
0xb8: {  	[dreg:$0x3] =	wrdreg s5  }
0xb9: {  	[dreg:$0x4] =	wrdreg $0xC0  }
0xba: {  	_ =	task [dreg:s22], $0x5FFFF  }
0xbb: {  	[dreg:$0x1] =	wrdreg $0xFFFFFFFF  }
0xbc: {  	[dreg:$0x0] =	wrdreg $0x60  }
0xbd: {  	[dreg:$0x2] =	wrdreg s24  }
0xbe: {  	[dreg:$0x3] =	wrdreg $0x9  }
0xbf: {  	_ =	task.clear_ibuf [dreg:s22], $0x4FFFF;
	_ =	strace $0x9000004F  }
0xc0: {  	s29 =	simm.s32 $0x9;
	_ =	strace $0x80000051  }
0xc1: {  	_ =	swait.ge [sflag:s29], $0x1  }
0xc2: {  	[sflag:s29] =	ssyncadd.s32 $0xFFFFFFFF  }
0xc3: {  	_ =	strace $0x90000051  }
0xc4: {  	_ =	sfence  }
0xc5: {  	s30 =	sld [smem:$0x0];
	_ =	sdelay $0x2  }
0xc6: {  	s31 =	sshll.u32 s1, $0xD;
	s1 =	sshrl.u32 s1, $0x2  }
0xc7: {  	s4 =	sand.u32 $0x4000, s31;
	s1 =	sadd.s32 s1, s30  }
0xc8: {  	s0 =	sor.u32 s4, s0;
	s1 =	sshll.u32 s1, $0x11  }
0xc9: {  	s0 =	sor.u32 s1, s0  }
0xca: {  	s0 =	sadd.s32 $0x8F2B, s0  }
0xcb: {  	[sflag:s0] =	ssyncadd.remote.s32 $0x1  }
0xcc: {  	_ =	sfence.sel $0xFFFF  }
0xcd: {  	[dreg:$0x0] =	wrdreg $0xFFFFFFFF;
	(pc) =	sbr.abs _section_cstart, $3  }
0xce: {  	[dreg:$0x1] =	wrdreg $0xFFFFFFFF  }
0xcf: {  	_ =	task.clear_ibuf [dreg:s22], $0x2FFFF;
	_ =	strace $0x9FFFFFFF  }
0xd0: {  	(tm) =	ssettm $0x7FFFFFFF  }
0xd1: {  	_ =	shalt  }
tec
execute0_lowered:
.L_overlay_start_1:
0x0: {  	(tag) =	ssettag $0x1  }
0x1: {  	s4 =	rddreg [dreg:$0x0]  }
0x2: {  	s0 =	rddreg [dreg:$0x1];
	s2 =	simm.s32 $0x0  }
0x3: {  	s3 =	srdreg.scid;
	s1 =	stileid.u32;
	s10 =	simm.s32 $0xC80  }
0x4: {  	s11 =	simm.s32 $0x1900;
	s12 =	simm.s32 $0x2;
	s13 =	simm.s32 $0x5900  }
0x5: {  	s14 =	simm.s32 $0x3;
	s15 =	simm.s32 $0x4;
	s16 =	simm.s32 $0x0  }
0x6: {  	[smem:$0x7FF] =	sst s2;
	s5 =	sand.u32 $0x1, s3;
	s6 =	sshll.u32 s1, $0x1  }
0x7: {  	s3 =	sadd.s32 $0x1CCC00, s4;
	s6 =	sor.u32 s5, s6;
	s5 =	ssub.s32 $0x2, s5  }
0x8: {  	s7 =	sshll.u32 s6, $0xE;
	s8 =	sshrl.u32 s5, $0x1;
	s9 =	smul.u32 $0xC80, s6  }
0x9: {  	v2 =	vlaneseq.u32;
	_ =	strace $0x80000050;
	s7 =	sadd.s32 s7, s4;
	s8 =	ssub.s32 s5, s8  }
0xa: {  	v1 =	vmul.u32 $0xC8, v2;
	s4 =	sshll.u32 s6, $0x7;
	s5 =	sadd.s32 s3, s9;
	s6 =	sadd.s32 $0x1E5C00, s7  }
0xb: {  	v0 =	vimm.f32 $0.0e+00;
	v3 =	vimm.f32 $1.000000000e+00;
	v2 =	vmul.u32 $0x400, v2;
	s7 =	sor.u32 $0x20, s4;
	s8 =	smax.u32 s8, $0x1;
	s9 =	simm.s32 $0x1  }
.LBB2_1:
0xc: {  	[tilespmem:s2], [sflag:$0x1] =	stream.linear.gather [hbm4b:s5+s2], $0xC80, $0x38;
	[tilespmem:$0x9900] =	vst v63  }
0xd: {  	s17 =	simm.s32 $0x0  }
.LBB2_2:
0xe: {  	p0 =	seq.s32 s17, $0x0  }
0xf: {  	s18 =	simm.s32 @!p0 $0x3  }
0x10: {  	_ =	swait.ge @!p0 [sflag:s18], $0x4000  }
0x11: {  	[sflag:s18] =	ssyncset.done @!p0 $0x0  }
0x12: {  	s19 =	simm.s32 $0x1940;
	[sflag:s18] =	ssyncadd.s32 @!p0 $0xFFFFC000  }
0x13: {  	[tilespmem:s19+$0xFFFFFFC0] =	vst v0  }
0x14: {  	[tilespmem:s19+$0x30] =	vst v0  }
0x15: {  	[tilespmem:s19+$0x20] =	vst v0  }
0x16: {  	[tilespmem:s19+$0x10] =	vst v0  }
0x17: {  	[tilespmem:s19+$0x0] =	vst v0  }
0x18: {  	[tilespmem:s19+$0xFFFFFFF0] =	vst v0  }
0x19: {  	s20 =	simm.s32 $0x0;
	s18 =	sshll.u32 s17, $0x1;
	[tilespmem:s19+$0xFFFFFFE0] =	vst v0  }
.LBB2_3:
0x1a: {  	s20 =	sadd.s32 $0x8, s20;
	[tilespmem:s19+$0xFFFFFFD0] =	vst v0;
	s19 =	sadd.s32 $0x80, s19  }
0x1b: {  	[tilespmem:s19+$0xFFFFFFC0] =	vst v0;
	p1 =	slt.u32 s20, $0x3F8  }
0x1c: {  	[tilespmem:s19+$0x30] =	vst v0  }
.Ltmp0:
0x1d: {  	[tilespmem:s19+$0x20] =	vst v0;
	(pc) =	sbr.rel @p1 .LBB2_3-.Ltmp0, $4  }
0x1e: {  	[tilespmem:s19+$0x10] =	vst v0  }
0x1f: {  	[tilespmem:s19+$0x0] =	vst v0  }
0x20: {  	[tilespmem:s19+$0xFFFFFFF0] =	vst v0  }
0x21: {  	[tilespmem:s19+$0xFFFFFFE0] =	vst v0  }
0x22: {  	s18 =	sor.u32 $0x1, s18  }
0x23: {  	s29 =	simm.s32 $0x0;
	s20 =	sshll.u32 s18, $0x4  }
0x24: {  	[tilespmem:s19+$0xFFFFFFD0] =	vst v0;
	s30 =	simm.s32 $0x7;
	v4 =	vadd.s32 s29, v1;
	s28 =	sadd.s32 s4, s20  }
0x25: {  	s31 =	simm.s32 $0x6;
	_ =	swait.ge [sflag:s9], $0xC80;
	v5 =	vadd.s32 s30, v1;
	s19 =	smul.u32 $0x19, s28  }
0x26: {  	s21 =	simm.s32 $0x4;
	v6 =	vadd.s32 s31, v1;
	[sflag:s9] =	ssyncset.done $0x0;
	s20 =	simm.s32 $0x5  }
0x27: {  	s22 =	simm.s32 $0x3;
	[sflag:s9] =	ssyncadd.s32 $0xFFFFF380;
	v7 =	vadd.s32 s20, v1;
	s19 =	sadd.s32 s3, s19  }
0x28: {  	v8 =	vadd.s32 s21, v1;
	[tilespmem:s10], [sflag:$0x2] =	stream.linear.gather [hbm4b:s19+s29], $0xC80, $0x38;
	[tilespmem:$0x9900] =	vst v63  }
0x29: {  	s23 =	simm.s32 $0x2;
	v9 =	vadd.s32 s22, v1;
	v4 =	vld.idx.msk [tilespmem:v4+s2+$0x0], $0xffff  }
0x2a: {  	s24 =	simm.s32 $0x1;
	v10 =	vadd.s32 s23, v1;
	v5 =	vld.idx.msk [tilespmem:v5+s2+$0x0], $0xffff  }
0x2b: {  	s25 =	simm.s32 $0x8;
	v11 =	vadd.s32 s24, v1;
	v6 =	vld.idx.msk [tilespmem:v6+s2+$0x0], $0xffff  }
0x2c: {  	v12 =	vadd.s32 s25, v1;
	s28 =	simm.s32 $0xE;
	v7 =	vld.idx.msk [tilespmem:v7+s2+$0x0], $0xffff  }
0x2d: {  	v15 =	vadd.s32 s28, v1;
	v8 =	vld.idx.msk [tilespmem:v8+s2+$0x0], $0xffff  }
0x2e: {  	s26 =	simm.s32 $0xF;
	v9 =	vld.idx.msk [tilespmem:v9+s2+$0x0], $0xffff;
	v4 =	vadd.s32 v2, v4  }
0x2f: {  	v13 =	vadd.s32 s26, v1;
	v10 =	vld.idx.msk [tilespmem:v10+s2+$0x0], $0xffff  }
0x30: {  	v11 =	vld.idx.msk [tilespmem:v11+s2+$0x0], $0xffff;
	v14 =	vadd.s32 v2, v5  }
0x31: {  	v5 =	vld.idx.msk [tilespmem:v12+s2+$0x0], $0xffff;
	v7 =	vadd.s32 v2, v7  }
0x32: {  	v61 =	vadd.s32 v2, v6;
	v8 =	vadd.s32 v2, v8;
	v6 =	vld.idx.msk [tilespmem:v15+s2+$0x0], $0xffff  }
0x33: {  	[tilespmem:v4+s11+$0x0] =	vst.idx.add.f32.msk $0xffff, v3  }
0x34: {  	v62 =	vadd.s32 v2, v9;
	v4 =	vld.idx.msk [tilespmem:v13+s2+$0x0], $0xffff  }
0x35: {  	v63 =	vadd.s32 v2, v10;
	[tilespmem:v14+s11+$0x0] =	vst.idx.add.f32.msk $0xffff, v3  }
0x36: {  	s29 =	simm.s32 $0xD;
	[tilespmem:v7+s11+$0x0] =	vst.idx.add.f32.msk $0xffff, v3;
	v7 =	vadd.s32 v2, v11  }
0x37: {  	s30 =	simm.s32 $0xC;
	[tilespmem:v8+s11+$0x0] =	vst.idx.add.f32.msk $0xffff, v3;
	v8 =	vadd.s32 s29, v1  }
0x38: {  	s31 =	simm.s32 $0xB;
	v9 =	vadd.s32 s30, v1;
	[tilespmem:v61+s11+$0x0] =	vst.idx.add.f32.msk $0xffff, v3  }
0x39: {  	s21 =	simm.s32 $0xA;
	v10 =	vadd.s32 s31, v1;
	[tilespmem:v62+s11+$0x0] =	vst.idx.add.f32.msk $0xffff, v3  }
0x3a: {  	s20 =	simm.s32 $0x9;
	s19 =	simm.s32 $0x10;
	[tilespmem:v63+s11+$0x0] =	vst.idx.add.f32.msk $0xffff, v3;
	v11 =	vadd.s32 s21, v1  }
.LBB2_5:
0x3b: {  	p1 =	slt.u32 s19, $0xC0;
	v12 =	vadd.s32 s20, v1;
	[tilespmem:v7+s11+$0x0] =	vst.idx.add.f32.msk $0xffff, v3  }
0x3c: {  	v7 =	vadd.s32 s19, v1;
	v8 =	vld.idx.msk [tilespmem:v8+s2+$0x0], $0xffff  }
0x3d: {  	s20 =	sadd.s32 $0x7, s19;
	v13 =	vadd.s32 v2, v5;
	v9 =	vld.idx.msk [tilespmem:v9+s2+$0x0], $0xffff  }
0x3e: {  	v14 =	vadd.s32 s20, v1;
	v10 =	vld.idx.msk [tilespmem:v10+s2+$0x0], $0xffff  }
0x3f: {  	v15 =	vadd.s32 v2, v4;
	s20 =	sadd.s32 $0x6, s19;
	v11 =	vld.idx.msk [tilespmem:v11+s2+$0x0], $0xffff  }
0x40: {  	v16 =	vadd.s32 s20, v1;
	v12 =	vld.idx.msk [tilespmem:v12+s2+$0x0], $0xffff  }
0x41: {  	v17 =	vadd.s32 v2, v6;
	v5 =	vld.idx.msk [tilespmem:v7+s2+$0x0], $0xffff  }
0x42: {  	[tilespmem:v13+s11+$0x0] =	vst.idx.add.f32.msk $0xffff, v3;
	v13 =	vadd.s32 v2, v8  }
0x43: {  	v4 =	vld.idx.msk [tilespmem:v14+s2+$0x0], $0xffff;
	v14 =	vadd.s32 v2, v9  }
0x44: {  	v18 =	vadd.s32 v2, v10;
	[tilespmem:v15+s11+$0x0] =	vst.idx.add.f32.msk $0xffff, v3  }
0x45: {  	v15 =	vadd.s32 v2, v11;
	v6 =	vld.idx.msk [tilespmem:v16+s2+$0x0], $0xffff  }
.Ltmp1:
0x46: {  	s20 =	sadd.s32 $0x5, s19;
	v7 =	vadd.s32 v2, v12;
	[tilespmem:v17+s11+$0x0] =	vst.idx.add.f32.msk $0xffff, v3;
	(pc) =	sbr.rel @p1 .LBB2_5-.Ltmp1, $4  }
0x47: {  	s21 =	sadd.s32 $0x4, s19;
	v8 =	vadd.s32 s20, v1;
	[tilespmem:v13+s11+$0x0] =	vst.idx.add.f32.msk $0xffff, v3  }
0x48: {  	s20 =	sadd.s32 $0x3, s19;
	v9 =	vadd.s32 s21, v1;
	[tilespmem:v14+s11+$0x0] =	vst.idx.add.f32.msk $0xffff, v3  }
0x49: {  	s21 =	sadd.s32 $0x2, s19;
	v10 =	vadd.s32 s20, v1;
	[tilespmem:v18+s11+$0x0] =	vst.idx.add.f32.msk $0xffff, v3  }
0x4a: {  	s20 =	sadd.s32 $0x1, s19;
	s19 =	sadd.s32 $0x8, s19;
	v11 =	vadd.s32 s21, v1;
	[tilespmem:v15+s11+$0x0] =	vst.idx.add.f32.msk $0xffff, v3  }
0x4b: {  	_ =	sdelay $0x2  }
0x4c: {  	v12 =	vadd.s32 s20, v1  }
0x4d: {  	v8 =	vld.idx.msk [tilespmem:v8+s2+$0x0], $0xffff  }
0x4e: {  	v9 =	vld.idx.msk [tilespmem:v9+s2+$0x0], $0xffff  }
0x4f: {  	v5 =	vadd.s32 v2, v5;
	v10 =	vld.idx.msk [tilespmem:v10+s2+$0x0], $0xffff  }
0x50: {  	v11 =	vld.idx.msk [tilespmem:v11+s2+$0x0], $0xffff;
	v4 =	vadd.s32 v2, v4  }
0x51: {  	v6 =	vadd.s32 v2, v6;
	v12 =	vld.idx.msk [tilespmem:v12+s2+$0x0], $0xffff  }
0x52: {  	v8 =	vadd.s32 v2, v8  }
0x53: {  	[tilespmem:v7+s11+$0x0] =	vst.idx.add.f32.msk $0xffff, v3;
	v62 =	vadd.s32 v2, v9  }
0x54: {  	[tilespmem:v5+s11+$0x0] =	vst.idx.add.f32.msk $0xffff, v3;
	v5 =	vadd.s32 v2, v10  }
0x55: {  	[tilespmem:v4+s11+$0x0] =	vst.idx.add.f32.msk $0xffff, v3;
	v4 =	vadd.s32 v2, v11  }
0x56: {  	[tilespmem:v6+s11+$0x0] =	vst.idx.add.f32.msk $0xffff, v3;
	v63 =	vadd.s32 v2, v12  }
0x57: {  	[tilespmem:v8+s11+$0x0] =	vst.idx.add.f32.msk $0xffff, v3  }
0x58: {  	[tilespmem:v62+s11+$0x0] =	vst.idx.add.f32.msk $0xffff, v3  }
0x59: {  	[tilespmem:v5+s11+$0x0] =	vst.idx.add.f32.msk $0xffff, v3  }
0x5a: {  	s19 =	sshll.u32 s17, $0xC;
	[tilespmem:v4+s11+$0x0] =	vst.idx.add.f32.msk $0xffff, v3  }
0x5b: {  	s19 =	sadd.s32 s19, s6;
	[tilespmem:v63+s11+$0x0] =	vst.idx.add.f32.msk $0xffff, v3  }
0x5c: {  	[hbm4b:s19+s2] =	stream.linear.scatter [tilespmem:s11], [sflag:$0x3], $0x4000, $0x38;
	[tilespmem:$0x9900] =	vst v63  }
0x5d: {  	s19 =	simm.s32 @!p0 $0x4  }
0x5e: {  	_ =	swait.ge @!p0 [sflag:s19], $0x4000  }
0x5f: {  	[sflag:s19] =	ssyncset.done @!p0 $0x0  }
0x60: {  	[sflag:s19] =	ssyncadd.s32 @!p0 $0xFFFFC000;
	s19 =	simm.s32 $0x5940  }
0x61: {  	[tilespmem:s19+$0xFFFFFFC0] =	vst v0  }
0x62: {  	[tilespmem:s19+$0x30] =	vst v0  }
0x63: {  	[tilespmem:s19+$0x20] =	vst v0  }
0x64: {  	[tilespmem:s19+$0x10] =	vst v0  }
0x65: {  	[tilespmem:s19+$0x0] =	vst v0  }
0x66: {  	[tilespmem:s19+$0xFFFFFFF0] =	vst v0  }
0x67: {  	s20 =	simm.s32 $0x0;
	[tilespmem:s19+$0xFFFFFFE0] =	vst v0  }
.LBB2_7:
0x68: {  	s20 =	sadd.s32 $0x8, s20;
	[tilespmem:s19+$0xFFFFFFD0] =	vst v0;
	s19 =	sadd.s32 $0x80, s19  }
0x69: {  	[tilespmem:s19+$0xFFFFFFC0] =	vst v0;
	p0 =	slt.u32 s20, $0x3F8  }
0x6a: {  	[tilespmem:s19+$0x30] =	vst v0  }
.Ltmp2:
0x6b: {  	[tilespmem:s19+$0x20] =	vst v0;
	(pc) =	sbr.rel @p0 .LBB2_7-.Ltmp2, $4  }
0x6c: {  	[tilespmem:s19+$0x10] =	vst v0  }
0x6d: {  	[tilespmem:s19+$0x0] =	vst v0  }
0x6e: {  	[tilespmem:s19+$0xFFFFFFF0] =	vst v0  }
0x6f: {  	[tilespmem:s19+$0xFFFFFFE0] =	vst v0  }
0x70: {  	p0 =	seq.s32 s17, $0x3  }
0x71: {  	[tilespmem:s19+$0xFFFFFFD0] =	vst v0;
	s21 =	simm.s32 $0x0;
	s19 =	sshll.u32 @!p0 s17, $0x5  }
0x72: {  	s28 =	simm.s32 $0x7;
	s29 =	simm.s32 $0x6;
	v4 =	vadd.s32 s21, v1;
	s19 =	sadd.s32 @!p0 s19, s7  }
0x73: {  	s30 =	simm.s32 $0x5;
	_ =	swait.ge [sflag:s12], $0xC80;
	v5 =	vadd.s32 s28, v1;
	s19 =	smul.u32 @!p0 $0x19, s19  }
0x74: {  	s31 =	simm.s32 $0x4;
	s20 =	simm.s32 @!p0 $0x0;
	v6 =	vadd.s32 s29, v1;
	[sflag:s12] =	ssyncset.done $0x0  }
0x75: {  	v7 =	vadd.s32 s30, v1;
	s21 =	simm.s32 $0x3;
	[sflag:s12] =	ssyncadd.s32 $0xFFFFF380;
	s19 =	sadd.s32 @!p0 s3, s19  }
0x76: {  	v8 =	vadd.s32 s31, v1;
	[tilespmem:s20], [sflag:$0x1] =	stream.linear.gather @!p0 [hbm4b:s19+s20], $0xC80, $0x38;
	[tilespmem:$0x9900] =	vst v63  }
0x77: {  	s22 =	simm.s32 $0x2;
	v9 =	vadd.s32 s21, v1;
	v4 =	vld.idx.msk [tilespmem:v4+s10+$0x0], $0xffff  }
0x78: {  	s23 =	simm.s32 $0x1;
	v10 =	vadd.s32 s22, v1;
	v5 =	vld.idx.msk [tilespmem:v5+s10+$0x0], $0xffff  }
0x79: {  	s24 =	simm.s32 $0x8;
	v11 =	vadd.s32 s23, v1;
	v6 =	vld.idx.msk [tilespmem:v6+s10+$0x0], $0xffff  }
0x7a: {  	s26 =	simm.s32 $0xE;
	v12 =	vadd.s32 s24, v1;
	v7 =	vld.idx.msk [tilespmem:v7+s10+$0x0], $0xffff  }
0x7b: {  	v15 =	vadd.s32 s26, v1;
	v8 =	vld.idx.msk [tilespmem:v8+s10+$0x0], $0xffff  }
0x7c: {  	s25 =	simm.s32 $0xF;
	v9 =	vld.idx.msk [tilespmem:v9+s10+$0x0], $0xffff;
	v4 =	vadd.s32 v2, v4  }
0x7d: {  	v13 =	vadd.s32 s25, v1;
	v10 =	vld.idx.msk [tilespmem:v10+s10+$0x0], $0xffff  }
0x7e: {  	v11 =	vld.idx.msk [tilespmem:v11+s10+$0x0], $0xffff;
	v14 =	vadd.s32 v2, v5  }
0x7f: {  	v5 =	vld.idx.msk [tilespmem:v12+s10+$0x0], $0xffff;
	v7 =	vadd.s32 v2, v7  }
0x80: {  	v61 =	vadd.s32 v2, v6;
	v8 =	vadd.s32 v2, v8;
	v6 =	vld.idx.msk [tilespmem:v15+s10+$0x0], $0xffff  }
0x81: {  	[tilespmem:v4+s13+$0x0] =	vst.idx.add.f32.msk $0xffff, v3  }
0x82: {  	v62 =	vadd.s32 v2, v9;
	v4 =	vld.idx.msk [tilespmem:v13+s10+$0x0], $0xffff  }
0x83: {  	v63 =	vadd.s32 v2, v10;
	[tilespmem:v14+s13+$0x0] =	vst.idx.add.f32.msk $0xffff, v3  }
0x84: {  	s28 =	simm.s32 $0xD;
	[tilespmem:v7+s13+$0x0] =	vst.idx.add.f32.msk $0xffff, v3;
	v7 =	vadd.s32 v2, v11  }
0x85: {  	s29 =	simm.s32 $0xC;
	[tilespmem:v8+s13+$0x0] =	vst.idx.add.f32.msk $0xffff, v3;
	v8 =	vadd.s32 s28, v1  }
0x86: {  	s30 =	simm.s32 $0xB;
	v9 =	vadd.s32 s29, v1;
	[tilespmem:v61+s13+$0x0] =	vst.idx.add.f32.msk $0xffff, v3  }
0x87: {  	s31 =	simm.s32 $0xA;
	v10 =	vadd.s32 s30, v1;
	[tilespmem:v62+s13+$0x0] =	vst.idx.add.f32.msk $0xffff, v3  }
0x88: {  	s20 =	simm.s32 $0x9;
	s19 =	simm.s32 $0x10;
	v11 =	vadd.s32 s31, v1;
	[tilespmem:v63+s13+$0x0] =	vst.idx.add.f32.msk $0xffff, v3  }
.LBB2_9:
0x89: {  	p0 =	slt.u32 s19, $0xC0;
	v12 =	vadd.s32 s20, v1;
	[tilespmem:v7+s13+$0x0] =	vst.idx.add.f32.msk $0xffff, v3  }
0x8a: {  	v7 =	vadd.s32 s19, v1;
	v8 =	vld.idx.msk [tilespmem:v8+s10+$0x0], $0xffff  }
0x8b: {  	s20 =	sadd.s32 $0x7, s19;
	v13 =	vadd.s32 v2, v5;
	v9 =	vld.idx.msk [tilespmem:v9+s10+$0x0], $0xffff  }
0x8c: {  	v14 =	vadd.s32 s20, v1;
	v10 =	vld.idx.msk [tilespmem:v10+s10+$0x0], $0xffff  }
0x8d: {  	v15 =	vadd.s32 v2, v4;
	s20 =	sadd.s32 $0x6, s19;
	v11 =	vld.idx.msk [tilespmem:v11+s10+$0x0], $0xffff  }
0x8e: {  	v16 =	vadd.s32 s20, v1;
	v12 =	vld.idx.msk [tilespmem:v12+s10+$0x0], $0xffff  }
0x8f: {  	v17 =	vadd.s32 v2, v6;
	v5 =	vld.idx.msk [tilespmem:v7+s10+$0x0], $0xffff  }
0x90: {  	[tilespmem:v13+s13+$0x0] =	vst.idx.add.f32.msk $0xffff, v3;
	v13 =	vadd.s32 v2, v8  }
0x91: {  	v4 =	vld.idx.msk [tilespmem:v14+s10+$0x0], $0xffff;
	v14 =	vadd.s32 v2, v9  }
0x92: {  	v18 =	vadd.s32 v2, v10;
	[tilespmem:v15+s13+$0x0] =	vst.idx.add.f32.msk $0xffff, v3  }
0x93: {  	v15 =	vadd.s32 v2, v11;
	v6 =	vld.idx.msk [tilespmem:v16+s10+$0x0], $0xffff  }
.Ltmp3:
0x94: {  	s20 =	sadd.s32 $0x5, s19;
	v7 =	vadd.s32 v2, v12;
	[tilespmem:v17+s13+$0x0] =	vst.idx.add.f32.msk $0xffff, v3;
	(pc) =	sbr.rel @p0 .LBB2_9-.Ltmp3, $4  }
0x95: {  	s21 =	sadd.s32 $0x4, s19;
	v8 =	vadd.s32 s20, v1;
	[tilespmem:v13+s13+$0x0] =	vst.idx.add.f32.msk $0xffff, v3  }
0x96: {  	s20 =	sadd.s32 $0x3, s19;
	v9 =	vadd.s32 s21, v1;
	[tilespmem:v14+s13+$0x0] =	vst.idx.add.f32.msk $0xffff, v3  }
0x97: {  	s21 =	sadd.s32 $0x2, s19;
	v10 =	vadd.s32 s20, v1;
	[tilespmem:v18+s13+$0x0] =	vst.idx.add.f32.msk $0xffff, v3  }
0x98: {  	s20 =	sadd.s32 $0x1, s19;
	s19 =	sadd.s32 $0x8, s19;
	v11 =	vadd.s32 s21, v1;
	[tilespmem:v15+s13+$0x0] =	vst.idx.add.f32.msk $0xffff, v3  }
0x99: {  	_ =	sdelay $0x2  }
0x9a: {  	v12 =	vadd.s32 s20, v1  }
0x9b: {  	v8 =	vld.idx.msk [tilespmem:v8+s10+$0x0], $0xffff  }
0x9c: {  	v9 =	vld.idx.msk [tilespmem:v9+s10+$0x0], $0xffff  }
0x9d: {  	v5 =	vadd.s32 v2, v5;
	v10 =	vld.idx.msk [tilespmem:v10+s10+$0x0], $0xffff  }
0x9e: {  	v11 =	vld.idx.msk [tilespmem:v11+s10+$0x0], $0xffff;
	v4 =	vadd.s32 v2, v4  }
0x9f: {  	v6 =	vadd.s32 v2, v6;
	v12 =	vld.idx.msk [tilespmem:v12+s10+$0x0], $0xffff  }
0xa0: {  	v8 =	vadd.s32 v2, v8  }
0xa1: {  	[tilespmem:v7+s13+$0x0] =	vst.idx.add.f32.msk $0xffff, v3;
	v62 =	vadd.s32 v2, v9  }
0xa2: {  	[tilespmem:v5+s13+$0x0] =	vst.idx.add.f32.msk $0xffff, v3;
	v5 =	vadd.s32 v2, v10  }
0xa3: {  	[tilespmem:v4+s13+$0x0] =	vst.idx.add.f32.msk $0xffff, v3;
	v4 =	vadd.s32 v2, v11  }
0xa4: {  	s17 =	sadd.s32 $0x1, s17;
	[tilespmem:v6+s13+$0x0] =	vst.idx.add.f32.msk $0xffff, v3;
	v63 =	vadd.s32 v2, v12  }
0xa5: {  	p0 =	sne.s32 s17, $0x4;
	[tilespmem:v8+s13+$0x0] =	vst.idx.add.f32.msk $0xffff, v3  }
.Ltmp4:
0xa6: {  	[tilespmem:v62+s13+$0x0] =	vst.idx.add.f32.msk $0xffff, v3;
	(pc) =	sbr.rel @p0 .LBB2_2-.Ltmp4, $4  }
0xa7: {  	[tilespmem:v5+s13+$0x0] =	vst.idx.add.f32.msk $0xffff, v3  }
0xa8: {  	s18 =	sshll.u32 s18, $0xB;
	[tilespmem:v4+s13+$0x0] =	vst.idx.add.f32.msk $0xffff, v3  }
0xa9: {  	s18 =	sadd.s32 s18, s6;
	[tilespmem:v63+s13+$0x0] =	vst.idx.add.f32.msk $0xffff, v3  }
0xaa: {  	[hbm4b:s18+s2] =	stream.linear.scatter [tilespmem:s13], [sflag:$0x4], $0x4000, $0x38;
	[tilespmem:$0x9900] =	vst v63  }
0xab: {  	s16 =	sadd.s32 $0x1, s16  }
0xac: {  	_ =	swait.ge [sflag:s14], $0x4000;
	p0 =	sne.s32 s16, s8  }
.Ltmp5:
0xad: {  	[sflag:s14] =	ssyncset.done $0x0;
	(pc) =	sbr.rel @p0 .LBB2_1-.Ltmp5, $4  }
0xae: {  	[sflag:s14] =	ssyncadd.s32 $0xFFFFC000  }
0xaf: {  	_ =	swait.ge [sflag:s15], $0x4000  }
0xb0: {  	[sflag:s15] =	ssyncset.done $0x0  }
0xb1: {  	[sflag:s15] =	ssyncadd.s32 $0xFFFFC000  }
0xb2: {  	_ =	sfence.sel $0x180000  }
0xb3: {  	[bflag:$0x0] =	sbarrier.arrive $0xFFFF  }
0xb4: {  	p0 =	sne.s32 s1, $0x0;
	_ =	strace $0x90000050  }
0xb5: {  	s0 =	sadd.s32 @!p0 $0x100000, s0;
	[bflag:$0x2] =	sbarrier.arrive $0xFFFF  }
0xb6: {  	[sflag:s0] =	ssyncadd.tile.s32 @!p0 $0x1;
	_ =	shalt  }
.Lfunc_end2:
_tile_overlayer_lowered:
.L_overlay_start_2:
0xb7: {  	(tag) =	ssettag $0x2  }
0xb8: {  	s0 =	rddreg [dreg:$0x0];
	s2 =	stileid.u32  }
0xb9: {  	s1 =	rddreg [dreg:$0x1];
	p0 =	sne.s32 s2, $0x0  }
0xba: {  	s3 =	rddreg [dreg:$0x2];
	[bflag:$0x3] =	sbarrier.arrive $0xFFFF;
	s2 =	simm.s32 @!p0 $0x1C05  }
0xbb: {  	[timem:s3], [sflag:s2] =	dma.local @!p0 [hbm:s0], s1  }
0xbc: {  	s0 =	simm.s32 @!p0 $0x5  }
0xbd: {  	_ =	swait.ge @!p0 [sflag:s0], s1  }
0xbe: {  	s1 =	ssub.s32 @!p0 $0x0, s1;
	[sflag:s0] =	ssyncset.done @!p0 $0x0  }
0xbf: {  	[sflag:s0] =	ssyncadd.s32 @!p0 s1  }
0xc0: {  	[bflag:$0x3] =	sbarrier.arrive $0xFFFF  }
0xc1: {  	_ =	shalt  }

// kernel: _run.13.cloned.1.call-start
scs
__scs_entry_jumppad:
0x0: {  	(pc) =	sbr.rel $0x88, $3  }
0x1: {  	(tag) =	ssettag $0x0;
	lr =	simm.s32 $0x1  }
0x2: {  	[smem:$0x3F9F] =	sst lr;
	_ =	strace $0xD0000000  }
0x3: {  	_ = 	snop  }
0x4: {  	_ = 	snop  }
0x5: {  	_ = 	snop  }
0x6: {  	_ = 	snop  }
0x7: {  	_ = 	snop  }
__scs_overlays_trampoline_lowered:
0x8: {  	[smem:$0x3FAE] =	sst s0  }
0x9: {  	[smem:$0x3FAF] =	sst s1  }
0xa: {  	[smem:$0x3FB0] =	sst s2  }
0xb: {  	[smem:$0x3FB1] =	sst s3  }
0xc: {  	[smem:$0x3FB2] =	sst s4  }
0xd: {  	[smem:$0x3FB3] =	sst s5  }
0xe: {  	[smem:$0x3FB4] =	sst s6  }
0xf: {  	[smem:$0x3FB5] =	sst s7  }
0x10: {  	[smem:$0x3FB6] =	sst s8  }
0x11: {  	[smem:$0x3FB7] =	sst s9;
	s0 =	simm.s32 @!p0 $0x0  }
0x12: {  	s1 =	sld [smem:$0x3F9D];
	s0 =	simm.s32 @p0 $0x1  }
0x13: {  	[smem:$0x3FB8] =	sst s0;
	s0 =	simm.s32 @!p1 $0x0  }
0x14: {  	s2 =	sld [smem:$0x3F9C];
	s0 =	simm.s32 @p1 $0x1  }
0x15: {  	[smem:$0x3FB9] =	sst s0;
	s0 =	simm.s32 @!p2 $0x0  }
0x16: {  	s3 =	sld [smem:$0x3FDB];
	s0 =	simm.s32 @p2 $0x1  }
0x17: {  	s4 =	simm.s32 $0x1BF5;
	[smem:$0x3FBB] =	sst s0  }
0x18: {  	s0 =	sld [smem:$0x3F9E];
	_ =	swait.ge [sflag:s4], $0x0  }
0x19: {  	s7 =	sld [smem:$0x3F9F]  }
0x1a: {  	s8 =	sadd.s32 $0xFFFFE003, lr  }
0x1b: {  	s9 =	sadd.s32 $0xFFFFFEF7, lr;
	s5 =	simm.s32 $0xFFFFFFFF;
	p2 =	slt.u32 s8, $0xFFFFF086  }
0x1c: {  	p1 =	slt.u32 s9, $0xF7A;
	s5 =	simm.s32 @!p2 $0x0  }
0x1d: {  	s5 =	simm.s32 @p1 $0x1;
	p0 =	seq.s32 s7, s2  }
0x1e: {  	s7 =	smul.u32 @!p0 $0xF7A, s2;
	p2 =	seq.s32 @!p0 s5, $0x0  }
0x1f: {  	s9 =	smul.u32 $0xF7A, s1;
	s8 =	simm.s32 @!p0 $0x1BF5;
	p2 =	por !p2, p0  }
0x20: {  	[sflag:s8] =	ssyncset.s32 @!p0 $0xFFFFF086;
	s6 =	sadd.s32 @!p0 s3, s7;
	s7 =	simm.s32 @!p0 $0x108  }
0x21: {  	s3 =	sadd.s32 s3, s9;
	s6 =	sadd.s32 @!p0 $0x88, s6;
	s7 =	simm.s32 @p2 $0x1082  }
0x22: {  	[simem:s7], [sflag:s8] =	dma.local @!p0 [hbm:s6], $0xF7A  }
0x23: {  	s9 =	sor.u32 $0xD0000000, s2;
	s6 =	simm.s32 $0x108;
	_ =	swait.ge @!p0 [sflag:s8], $0x0  }
0x24: {  	s3 =	sadd.s32 $0x88, s3;
	s6 =	simm.s32 @!p1 $0x1082;
	[sflag:s4] =	ssyncset.s32 $0xFFFFF086  }
0x25: {  	[simem:s6], [sflag:s4] =	dma.local [hbm:s3], $0xF7A  }
0x26: {  	[smem:$0x3F9F] =	sst s1;
	(tag) =	ssettag s2;
	_ =	strace s9  }
0x27: {  	s1 =	sld [smem:$0x3FAF]  }
0x28: {  	s2 =	sld [smem:$0x3FB0]  }
0x29: {  	s4 =	sld [smem:$0x3FB2]  }
0x2a: {  	p0 =	seq.s32 s5, $0x0;
	s5 =	sld [smem:$0x3FB3]  }
0x2b: {  	s6 =	sld [smem:$0x3FB4]  }
0x2c: {  	s7 =	sld [smem:$0x3FB5]  }
0x2d: {  	s3 =	simm.s32 $0x108;
	s8 =	sld [smem:$0x3FB6]  }
0x2e: {  	s3 =	simm.s32 @!p0 $0x1082;
	s9 =	sld [smem:$0x3FB7]  }
0x2f: {  	lr =	sadd.s32 s0, s3;
	s0 =	sld [smem:$0x3FAE]  }
0x30: {  	s3 =	sld [smem:$0x3FB1]  }
0x31: {  	[smem:$0x3FBA] =	sst s10  }
0x32: {  	s10 =	sld [smem:$0x3FB8];
	_ =	sdelay $0x3  }
0x33: {  	p0 =	seq.s32 s10, $0x1;
	s10 =	sld [smem:$0x3FBA];
	_ =	sdelay $0x3  }
0x34: {  	[smem:$0x3FBA] =	sst s10  }
0x35: {  	s10 =	sld [smem:$0x3FB9];
	_ =	sdelay $0x3  }
0x36: {  	p1 =	seq.s32 s10, $0x1;
	s10 =	sld [smem:$0x3FBA];
	_ =	sdelay $0x3  }
0x37: {  	[smem:$0x3FBA] =	sst s10  }
0x38: {  	s10 =	sld [smem:$0x3FBB]  }
0x39: {  	_ = 	snop;
	(pc) =	sbr.ind lr, $3  }
0x3a: {  	_ = 	snop  }
0x3b: {  	_ = 	snop  }
0x3c: {  	p2 =	seq.s32 s10, $0x1;
	s10 =	sld [smem:$0x3FBA]  }
0x3d: {  	_ =	shalt  }
0x3e: {  	_ =	shalt  }
0x3f: {  	_ =	shalt  }
0x40: {  	_ =	shalt  }
0x41: {  	_ =	shalt  }
0x42: {  	_ =	shalt  }
0x43: {  	_ =	shalt  }
0x44: {  	_ =	shalt  }
0x45: {  	_ =	shalt  }
0x46: {  	_ =	shalt  }
0x47: {  	_ =	shalt  }
0x48: {  	_ =	shalt  }
0x49: {  	_ =	shalt  }
0x4a: {  	_ =	shalt  }
0x4b: {  	_ =	shalt  }
0x4c: {  	_ =	shalt  }
0x4d: {  	_ =	shalt  }
0x4e: {  	_ =	shalt  }
0x4f: {  	_ =	shalt  }
0x50: {  	_ =	shalt  }
0x51: {  	_ =	shalt  }
0x52: {  	_ =	shalt  }
0x53: {  	_ =	shalt  }
0x54: {  	_ =	shalt  }
0x55: {  	_ =	shalt  }
0x56: {  	_ =	shalt  }
0x57: {  	_ =	shalt  }
0x58: {  	_ =	shalt  }
0x59: {  	_ =	shalt  }
0x5a: {  	_ =	shalt  }
0x5b: {  	_ =	shalt  }
0x5c: {  	_ =	shalt  }
0x5d: {  	_ =	shalt  }
0x5e: {  	_ =	shalt  }
0x5f: {  	_ =	shalt  }
0x60: {  	_ =	shalt  }
0x61: {  	_ =	shalt  }
0x62: {  	_ =	shalt  }
0x63: {  	_ =	shalt  }
0x64: {  	_ =	shalt  }
0x65: {  	_ =	shalt  }
0x66: {  	_ =	shalt  }
0x67: {  	_ =	shalt  }
0x68: {  	_ =	shalt  }
0x69: {  	_ =	shalt  }
0x6a: {  	_ =	shalt  }
0x6b: {  	_ =	shalt  }
0x6c: {  	_ =	shalt  }
0x6d: {  	_ =	shalt  }
0x6e: {  	_ =	shalt  }
0x6f: {  	_ =	shalt  }
0x70: {  	_ =	shalt  }
0x71: {  	_ =	shalt  }
0x72: {  	_ =	shalt  }
0x73: {  	_ =	shalt  }
0x74: {  	_ =	shalt  }
0x75: {  	_ =	shalt  }
0x76: {  	_ =	shalt  }
0x77: {  	_ =	shalt  }
0x78: {  	_ =	shalt  }
0x79: {  	_ =	shalt  }
0x7a: {  	_ =	shalt  }
0x7b: {  	_ =	shalt  }
0x7c: {  	_ =	shalt  }
0x7d: {  	_ =	shalt  }
0x7e: {  	_ =	shalt  }
0x7f: {  	_ =	shalt  }
0x80: {  	_ =	shalt  }
0x81: {  	_ =	shalt  }
0x82: {  	_ =	shalt  }
0x83: {  	_ =	shalt  }
0x84: {  	_ =	shalt  }
0x85: {  	_ =	shalt  }
0x86: {  	_ =	shalt  }
0x87: {  	_ =	shalt  }
.Lfunc_end0:
.L_simem_size_0:
called_computation.1_lowered:
.L_overlay_start_0:
0x88: {  	s2 =	sld [smem:$0x3FD9]  }
0x89: {  	s3 =	sld [smem:$0x3FFE];
	_ =	sdelay $0x1  }
0x8a: {  	s1 =	srdreg.scid  }
0x8b: {  	s0 =	sand.u32 $0x1, s1  }
0x8c: {  	s16 =	sshll.u32 s0, $0xA;
	s2 =	sadd.s32 s3, s2  }
0x8d: {  	s2 =	sadd.s32 s2, s16  }
0x8e: {  	[smem:$0x3FC6] =	sst s2  }
0x8f: {  	_ = 	snop  }
0x90: {  	(tm) =	ssettm $0x1  }
0x91: {  	s17 =	sld [smem:$0x3FFB];
	_ =	sdelay $0x3  }
0x92: {  	_ =	strace s17  }
0x93: {  	s2 =	sld [smem:$0x3FFC];
	_ =	sdelay $0x3  }
0x94: {  	_ =	strace s2  }
0x95: {  	s2 =	sld [smem:$0x3FFD];
	_ =	sdelay $0x3  }
0x96: {  	_ =	strace s2  }
0x97: {  	_ =	strace $0x8FFFFFFF  }
0x98: {  	s18 =	sld [smem:$0x3FDB];
	_ =	sdelay $0x1  }
0x99: {  	s19 =	simm.s32 $_scs_section_size  }
0x9a: {  	s4 =	simm.s32 $_size__tile_overlayer_lowered;
	s5 =	simm.s32 $_tile_overlayer_lowered  }
0x9b: {  	s22 =	simm.s32 $0x1BFF;
	s21 =	sshll.u32 s5, $0x1;
	s2 =	sadd.s32 s19, s18  }
0x9c: {  	s6 =	simm.s32 $0x0;
	s20 =	sshll.u32 s4, $0x1;
	s4 =	sadd.s32 s21, s2  }
0x9d: {  	[timem:s6], [sflag:s22] =	dma.local [hbm:s4], s20  }
0x9e: {  	_ =	swait.ge [sflag:s22], s20  }
0x9f: {  	s3 =	ssub.s32 $0x0, s20;
	[sflag:s22] =	ssyncset.done $0x0  }
0xa0: {  	[sflag:s22] =	ssyncadd.s32 s3;
	_ =	sdelay $0x1  }
0xa1: {  	s23 =	simm.s32 $0x1B8B  }
0xa2: {  	_ =	swait.ge [sflag:s23], $0x1  }
0xa3: {  	[sflag:s23] =	ssyncset.done $0x0  }
0xa4: {  	s25 =	simm.s32 $0x1B8E;
	s24 =	sld [smem:$0x3FFE];
	[sflag:s23] =	ssyncadd.s32 $0xFFFFFFFF  }
0xa5: {  	s26 =	simm.s32 $execute0_lowered;
	[smem:$0x3FD2] =	sst s25  }
0xa6: {  	s4 =	sshll.u32 s26, $0x1;
	_ =	strace $0x80000046;
	[dreg:$0x1] =	wrdreg $0xFFFFFFFF  }
0xa7: {  	s28 =	simm.s32 $_size_execute0_lowered;
	s2 =	sadd.s32 s2, s4;
	[dreg:$0x0] =	wrdreg $0x0  }
0xa8: {  	s4 =	sshll.u32 s28, $0x1;
	[dreg:$0x2] =	wrdreg s2  }
0xa9: {  	[dreg:$0x3] =	wrdreg s4  }
0xaa: {  	[dreg:$0x4] =	wrdreg $0xC0  }
0xab: {  	_ =	task [dreg:s6], $0x5FFFF  }
0xac: {  	[dreg:$0x1] =	wrdreg $0xFFFFFFFF  }
0xad: {  	[dreg:$0x0] =	wrdreg $0x60  }
0xae: {  	[dreg:$0x2] =	wrdreg s24  }
0xaf: {  	[dreg:$0x3] =	wrdreg $0xA  }
0xb0: {  	_ =	task.clear_ibuf [dreg:s6], $0x4FFFF;
	_ =	strace $0x90000046  }
0xb1: {  	s29 =	simm.s32 $0xA;
	_ =	strace $0x80000048  }
0xb2: {  	_ =	swait.ge [sflag:s29], $0x1  }
0xb3: {  	[sflag:s29] =	ssyncadd.s32 $0xFFFFFFFF  }
0xb4: {  	_ =	strace $0x90000048  }
0xb5: {  	_ =	sfence  }
0xb6: {  	s30 =	sld [smem:$0x0];
	_ =	sdelay $0x2  }
0xb7: {  	s31 =	sshll.u32 s1, $0xD;
	s1 =	sshrl.u32 s1, $0x2  }
0xb8: {  	s3 =	sand.u32 $0x4000, s31;
	s1 =	sadd.s32 s1, s30  }
0xb9: {  	s0 =	sor.u32 s3, s0;
	s1 =	sshll.u32 s1, $0x11  }
0xba: {  	s0 =	sor.u32 s1, s0  }
0xbb: {  	s0 =	sadd.s32 $0x8F2B, s0  }
0xbc: {  	[sflag:s0] =	ssyncadd.remote.s32 $0x1  }
0xbd: {  	_ =	sfence.sel $0xFFFF  }
0xbe: {  	[dreg:$0x0] =	wrdreg $0xFFFFFFFF;
	(pc) =	sbr.abs _section_cstart, $3  }
0xbf: {  	[dreg:$0x1] =	wrdreg $0xFFFFFFFF  }
0xc0: {  	_ =	task.clear_ibuf [dreg:s6], $0x2FFFF;
	_ =	strace $0x9FFFFFFF  }
0xc1: {  	(tm) =	ssettm $0x7FFFFFFF  }
tec
execute0_lowered:
.L_overlay_start_1:
0x0: {  	(tag) =	ssettag $0x1  }
0x1: {  	s4 =	rddreg [dreg:$0x0]  }
0x2: {  	s0 =	rddreg [dreg:$0x1];
	s2 =	simm.s32 $0x0  }
0x3: {  	s3 =	srdreg.scid;
	s1 =	stileid.u32;
	s10 =	simm.s32 $0xC80  }
0x4: {  	s11 =	simm.s32 $0x1900;
	s12 =	simm.s32 $0x2;
	s13 =	simm.s32 $0x5900  }
0x5: {  	s14 =	simm.s32 $0x3;
	s15 =	simm.s32 $0x4;
	s16 =	simm.s32 $0x0  }
0x6: {  	[smem:$0x7FF] =	sst s2;
	s5 =	sand.u32 $0x1, s3;
	s6 =	sshll.u32 s1, $0x1  }
0x7: {  	s3 =	sadd.s32 $0x1C00, s4;
	s6 =	sor.u32 s5, s6;
	s5 =	ssub.s32 $0x2, s5  }
0x8: {  	s7 =	sshll.u32 s6, $0xE;
	s8 =	sshrl.u32 s5, $0x1;
	s9 =	smul.u32 $0xC80, s6  }
0x9: {  	v2 =	vlaneseq.u32;
	_ =	strace $0x80000047;
	s7 =	sadd.s32 s7, s4;
	s8 =	ssub.s32 s5, s8  }
0xa: {  	v1 =	vmul.u32 $0xC8, v2;
	s4 =	sshll.u32 s6, $0x7;
	s5 =	sadd.s32 s3, s9;
	s6 =	sadd.s32 $0x1AC00, s7  }
0xb: {  	v0 =	vimm.f32 $0.0e+00;
	v3 =	vimm.f32 $1.000000000e+00;
	v2 =	vmul.u32 $0x400, v2;
	s7 =	sor.u32 $0x20, s4;
	s8 =	smax.u32 s8, $0x1;
	s9 =	simm.s32 $0x1  }
.LBB2_1:
0xc: {  	[tilespmem:s2], [sflag:$0x1] =	stream.linear.gather [hbm4b:s5+s2], $0xC80, $0x38;
	[tilespmem:$0x9900] =	vst v63  }
0xd: {  	s17 =	simm.s32 $0x0  }
.LBB2_2:
0xe: {  	p0 =	seq.s32 s17, $0x0  }
0xf: {  	s18 =	simm.s32 @!p0 $0x3  }
0x10: {  	_ =	swait.ge @!p0 [sflag:s18], $0x4000  }
0x11: {  	[sflag:s18] =	ssyncset.done @!p0 $0x0  }
0x12: {  	s19 =	simm.s32 $0x1940;
	[sflag:s18] =	ssyncadd.s32 @!p0 $0xFFFFC000  }
0x13: {  	[tilespmem:s19+$0xFFFFFFC0] =	vst v0  }
0x14: {  	[tilespmem:s19+$0x30] =	vst v0  }
0x15: {  	[tilespmem:s19+$0x20] =	vst v0  }
0x16: {  	[tilespmem:s19+$0x10] =	vst v0  }
0x17: {  	[tilespmem:s19+$0x0] =	vst v0  }
0x18: {  	[tilespmem:s19+$0xFFFFFFF0] =	vst v0  }
0x19: {  	s20 =	simm.s32 $0x0;
	s18 =	sshll.u32 s17, $0x1;
	[tilespmem:s19+$0xFFFFFFE0] =	vst v0  }
.LBB2_3:
0x1a: {  	s20 =	sadd.s32 $0x8, s20;
	[tilespmem:s19+$0xFFFFFFD0] =	vst v0;
	s19 =	sadd.s32 $0x80, s19  }
0x1b: {  	[tilespmem:s19+$0xFFFFFFC0] =	vst v0;
	p1 =	slt.u32 s20, $0x3F8  }
0x1c: {  	[tilespmem:s19+$0x30] =	vst v0  }
.Ltmp0:
0x1d: {  	[tilespmem:s19+$0x20] =	vst v0;
	(pc) =	sbr.rel @p1 .LBB2_3-.Ltmp0, $4  }
0x1e: {  	[tilespmem:s19+$0x10] =	vst v0  }
0x1f: {  	[tilespmem:s19+$0x0] =	vst v0  }
0x20: {  	[tilespmem:s19+$0xFFFFFFF0] =	vst v0  }
0x21: {  	[tilespmem:s19+$0xFFFFFFE0] =	vst v0  }
0x22: {  	s18 =	sor.u32 $0x1, s18  }
0x23: {  	s29 =	simm.s32 $0x0;
	s20 =	sshll.u32 s18, $0x4  }
0x24: {  	[tilespmem:s19+$0xFFFFFFD0] =	vst v0;
	s30 =	simm.s32 $0x7;
	v4 =	vadd.s32 s29, v1;
	s28 =	sadd.s32 s4, s20  }
0x25: {  	s31 =	simm.s32 $0x6;
	_ =	swait.ge [sflag:s9], $0xC80;
	v5 =	vadd.s32 s30, v1;
	s19 =	smul.u32 $0x19, s28  }
0x26: {  	s21 =	simm.s32 $0x4;
	v6 =	vadd.s32 s31, v1;
	[sflag:s9] =	ssyncset.done $0x0;
	s20 =	simm.s32 $0x5  }
0x27: {  	s22 =	simm.s32 $0x3;
	[sflag:s9] =	ssyncadd.s32 $0xFFFFF380;
	v7 =	vadd.s32 s20, v1;
	s19 =	sadd.s32 s3, s19  }
0x28: {  	v8 =	vadd.s32 s21, v1;
	[tilespmem:s10], [sflag:$0x2] =	stream.linear.gather [hbm4b:s19+s29], $0xC80, $0x38;
	[tilespmem:$0x9900] =	vst v63  }
0x29: {  	s23 =	simm.s32 $0x2;
	v9 =	vadd.s32 s22, v1;
	v4 =	vld.idx.msk [tilespmem:v4+s2+$0x0], $0xffff  }
0x2a: {  	s24 =	simm.s32 $0x1;
	v10 =	vadd.s32 s23, v1;
	v5 =	vld.idx.msk [tilespmem:v5+s2+$0x0], $0xffff  }
0x2b: {  	s25 =	simm.s32 $0x8;
	v11 =	vadd.s32 s24, v1;
	v6 =	vld.idx.msk [tilespmem:v6+s2+$0x0], $0xffff  }
0x2c: {  	v12 =	vadd.s32 s25, v1;
	s28 =	simm.s32 $0xE;
	v7 =	vld.idx.msk [tilespmem:v7+s2+$0x0], $0xffff  }
0x2d: {  	v15 =	vadd.s32 s28, v1;
	v8 =	vld.idx.msk [tilespmem:v8+s2+$0x0], $0xffff  }
0x2e: {  	s26 =	simm.s32 $0xF;
	v9 =	vld.idx.msk [tilespmem:v9+s2+$0x0], $0xffff;
	v4 =	vadd.s32 v2, v4  }
0x2f: {  	v13 =	vadd.s32 s26, v1;
	v10 =	vld.idx.msk [tilespmem:v10+s2+$0x0], $0xffff  }
0x30: {  	v11 =	vld.idx.msk [tilespmem:v11+s2+$0x0], $0xffff;
	v14 =	vadd.s32 v2, v5  }
0x31: {  	v5 =	vld.idx.msk [tilespmem:v12+s2+$0x0], $0xffff;
	v7 =	vadd.s32 v2, v7  }
0x32: {  	v61 =	vadd.s32 v2, v6;
	v8 =	vadd.s32 v2, v8;
	v6 =	vld.idx.msk [tilespmem:v15+s2+$0x0], $0xffff  }
0x33: {  	[tilespmem:v4+s11+$0x0] =	vst.idx.add.f32.msk $0xffff, v3  }
0x34: {  	v62 =	vadd.s32 v2, v9;
	v4 =	vld.idx.msk [tilespmem:v13+s2+$0x0], $0xffff  }
0x35: {  	v63 =	vadd.s32 v2, v10;
	[tilespmem:v14+s11+$0x0] =	vst.idx.add.f32.msk $0xffff, v3  }
0x36: {  	s29 =	simm.s32 $0xD;
	[tilespmem:v7+s11+$0x0] =	vst.idx.add.f32.msk $0xffff, v3;
	v7 =	vadd.s32 v2, v11  }
0x37: {  	s30 =	simm.s32 $0xC;
	[tilespmem:v8+s11+$0x0] =	vst.idx.add.f32.msk $0xffff, v3;
	v8 =	vadd.s32 s29, v1  }
0x38: {  	s31 =	simm.s32 $0xB;
	v9 =	vadd.s32 s30, v1;
	[tilespmem:v61+s11+$0x0] =	vst.idx.add.f32.msk $0xffff, v3  }
0x39: {  	s21 =	simm.s32 $0xA;
	v10 =	vadd.s32 s31, v1;
	[tilespmem:v62+s11+$0x0] =	vst.idx.add.f32.msk $0xffff, v3  }
0x3a: {  	s20 =	simm.s32 $0x9;
	s19 =	simm.s32 $0x10;
	[tilespmem:v63+s11+$0x0] =	vst.idx.add.f32.msk $0xffff, v3;
	v11 =	vadd.s32 s21, v1  }
.LBB2_5:
0x3b: {  	p1 =	slt.u32 s19, $0xC0;
	v12 =	vadd.s32 s20, v1;
	[tilespmem:v7+s11+$0x0] =	vst.idx.add.f32.msk $0xffff, v3  }
0x3c: {  	v7 =	vadd.s32 s19, v1;
	v8 =	vld.idx.msk [tilespmem:v8+s2+$0x0], $0xffff  }
0x3d: {  	s20 =	sadd.s32 $0x7, s19;
	v13 =	vadd.s32 v2, v5;
	v9 =	vld.idx.msk [tilespmem:v9+s2+$0x0], $0xffff  }
0x3e: {  	v14 =	vadd.s32 s20, v1;
	v10 =	vld.idx.msk [tilespmem:v10+s2+$0x0], $0xffff  }
0x3f: {  	v15 =	vadd.s32 v2, v4;
	s20 =	sadd.s32 $0x6, s19;
	v11 =	vld.idx.msk [tilespmem:v11+s2+$0x0], $0xffff  }
0x40: {  	v16 =	vadd.s32 s20, v1;
	v12 =	vld.idx.msk [tilespmem:v12+s2+$0x0], $0xffff  }
0x41: {  	v17 =	vadd.s32 v2, v6;
	v5 =	vld.idx.msk [tilespmem:v7+s2+$0x0], $0xffff  }
0x42: {  	[tilespmem:v13+s11+$0x0] =	vst.idx.add.f32.msk $0xffff, v3;
	v13 =	vadd.s32 v2, v8  }
0x43: {  	v4 =	vld.idx.msk [tilespmem:v14+s2+$0x0], $0xffff;
	v14 =	vadd.s32 v2, v9  }
0x44: {  	v18 =	vadd.s32 v2, v10;
	[tilespmem:v15+s11+$0x0] =	vst.idx.add.f32.msk $0xffff, v3  }
0x45: {  	v15 =	vadd.s32 v2, v11;
	v6 =	vld.idx.msk [tilespmem:v16+s2+$0x0], $0xffff  }
.Ltmp1:
0x46: {  	s20 =	sadd.s32 $0x5, s19;
	v7 =	vadd.s32 v2, v12;
	[tilespmem:v17+s11+$0x0] =	vst.idx.add.f32.msk $0xffff, v3;
	(pc) =	sbr.rel @p1 .LBB2_5-.Ltmp1, $4  }
0x47: {  	s21 =	sadd.s32 $0x4, s19;
	v8 =	vadd.s32 s20, v1;
	[tilespmem:v13+s11+$0x0] =	vst.idx.add.f32.msk $0xffff, v3  }
0x48: {  	s20 =	sadd.s32 $0x3, s19;
	v9 =	vadd.s32 s21, v1;
	[tilespmem:v14+s11+$0x0] =	vst.idx.add.f32.msk $0xffff, v3  }
0x49: {  	s21 =	sadd.s32 $0x2, s19;
	v10 =	vadd.s32 s20, v1;
	[tilespmem:v18+s11+$0x0] =	vst.idx.add.f32.msk $0xffff, v3  }
0x4a: {  	s20 =	sadd.s32 $0x1, s19;
	s19 =	sadd.s32 $0x8, s19;
	v11 =	vadd.s32 s21, v1;
	[tilespmem:v15+s11+$0x0] =	vst.idx.add.f32.msk $0xffff, v3  }
0x4b: {  	_ =	sdelay $0x2  }
0x4c: {  	v12 =	vadd.s32 s20, v1  }
0x4d: {  	v8 =	vld.idx.msk [tilespmem:v8+s2+$0x0], $0xffff  }
0x4e: {  	v9 =	vld.idx.msk [tilespmem:v9+s2+$0x0], $0xffff  }
0x4f: {  	v5 =	vadd.s32 v2, v5;
	v10 =	vld.idx.msk [tilespmem:v10+s2+$0x0], $0xffff  }
0x50: {  	v11 =	vld.idx.msk [tilespmem:v11+s2+$0x0], $0xffff;
	v4 =	vadd.s32 v2, v4  }
0x51: {  	v6 =	vadd.s32 v2, v6;
	v12 =	vld.idx.msk [tilespmem:v12+s2+$0x0], $0xffff  }
0x52: {  	v8 =	vadd.s32 v2, v8  }
0x53: {  	[tilespmem:v7+s11+$0x0] =	vst.idx.add.f32.msk $0xffff, v3;
	v62 =	vadd.s32 v2, v9  }
0x54: {  	[tilespmem:v5+s11+$0x0] =	vst.idx.add.f32.msk $0xffff, v3;
	v5 =	vadd.s32 v2, v10  }
0x55: {  	[tilespmem:v4+s11+$0x0] =	vst.idx.add.f32.msk $0xffff, v3;
	v4 =	vadd.s32 v2, v11  }
0x56: {  	[tilespmem:v6+s11+$0x0] =	vst.idx.add.f32.msk $0xffff, v3;
	v63 =	vadd.s32 v2, v12  }
0x57: {  	[tilespmem:v8+s11+$0x0] =	vst.idx.add.f32.msk $0xffff, v3  }
0x58: {  	[tilespmem:v62+s11+$0x0] =	vst.idx.add.f32.msk $0xffff, v3  }
0x59: {  	[tilespmem:v5+s11+$0x0] =	vst.idx.add.f32.msk $0xffff, v3  }
0x5a: {  	s19 =	sshll.u32 s17, $0xC;
	[tilespmem:v4+s11+$0x0] =	vst.idx.add.f32.msk $0xffff, v3  }
0x5b: {  	s19 =	sadd.s32 s19, s6;
	[tilespmem:v63+s11+$0x0] =	vst.idx.add.f32.msk $0xffff, v3  }
0x5c: {  	[hbm4b:s19+s2] =	stream.linear.scatter [tilespmem:s11], [sflag:$0x3], $0x4000, $0x38;
	[tilespmem:$0x9900] =	vst v63  }
0x5d: {  	s19 =	simm.s32 @!p0 $0x4  }
0x5e: {  	_ =	swait.ge @!p0 [sflag:s19], $0x4000  }
0x5f: {  	[sflag:s19] =	ssyncset.done @!p0 $0x0  }
0x60: {  	[sflag:s19] =	ssyncadd.s32 @!p0 $0xFFFFC000;
	s19 =	simm.s32 $0x5940  }
0x61: {  	[tilespmem:s19+$0xFFFFFFC0] =	vst v0  }
0x62: {  	[tilespmem:s19+$0x30] =	vst v0  }
0x63: {  	[tilespmem:s19+$0x20] =	vst v0  }
0x64: {  	[tilespmem:s19+$0x10] =	vst v0  }
0x65: {  	[tilespmem:s19+$0x0] =	vst v0  }
0x66: {  	[tilespmem:s19+$0xFFFFFFF0] =	vst v0  }
0x67: {  	s20 =	simm.s32 $0x0;
	[tilespmem:s19+$0xFFFFFFE0] =	vst v0  }
.LBB2_7:
0x68: {  	s20 =	sadd.s32 $0x8, s20;
	[tilespmem:s19+$0xFFFFFFD0] =	vst v0;
	s19 =	sadd.s32 $0x80, s19  }
0x69: {  	[tilespmem:s19+$0xFFFFFFC0] =	vst v0;
	p0 =	slt.u32 s20, $0x3F8  }
0x6a: {  	[tilespmem:s19+$0x30] =	vst v0  }
.Ltmp2:
0x6b: {  	[tilespmem:s19+$0x20] =	vst v0;
	(pc) =	sbr.rel @p0 .LBB2_7-.Ltmp2, $4  }
0x6c: {  	[tilespmem:s19+$0x10] =	vst v0  }
0x6d: {  	[tilespmem:s19+$0x0] =	vst v0  }
0x6e: {  	[tilespmem:s19+$0xFFFFFFF0] =	vst v0  }
0x6f: {  	[tilespmem:s19+$0xFFFFFFE0] =	vst v0  }
0x70: {  	p0 =	seq.s32 s17, $0x3  }
0x71: {  	[tilespmem:s19+$0xFFFFFFD0] =	vst v0;
	s21 =	simm.s32 $0x0;
	s19 =	sshll.u32 @!p0 s17, $0x5  }
0x72: {  	s28 =	simm.s32 $0x7;
	s29 =	simm.s32 $0x6;
	v4 =	vadd.s32 s21, v1;
	s19 =	sadd.s32 @!p0 s19, s7  }
0x73: {  	s30 =	simm.s32 $0x5;
	_ =	swait.ge [sflag:s12], $0xC80;
	v5 =	vadd.s32 s28, v1;
	s19 =	smul.u32 @!p0 $0x19, s19  }
0x74: {  	s31 =	simm.s32 $0x4;
	s20 =	simm.s32 @!p0 $0x0;
	v6 =	vadd.s32 s29, v1;
	[sflag:s12] =	ssyncset.done $0x0  }
0x75: {  	v7 =	vadd.s32 s30, v1;
	s21 =	simm.s32 $0x3;
	[sflag:s12] =	ssyncadd.s32 $0xFFFFF380;
	s19 =	sadd.s32 @!p0 s3, s19  }
0x76: {  	v8 =	vadd.s32 s31, v1;
	[tilespmem:s20], [sflag:$0x1] =	stream.linear.gather @!p0 [hbm4b:s19+s20], $0xC80, $0x38;
	[tilespmem:$0x9900] =	vst v63  }
0x77: {  	s22 =	simm.s32 $0x2;
	v9 =	vadd.s32 s21, v1;
	v4 =	vld.idx.msk [tilespmem:v4+s10+$0x0], $0xffff  }
0x78: {  	s23 =	simm.s32 $0x1;
	v10 =	vadd.s32 s22, v1;
	v5 =	vld.idx.msk [tilespmem:v5+s10+$0x0], $0xffff  }
0x79: {  	s24 =	simm.s32 $0x8;
	v11 =	vadd.s32 s23, v1;
	v6 =	vld.idx.msk [tilespmem:v6+s10+$0x0], $0xffff  }
0x7a: {  	s26 =	simm.s32 $0xE;
	v12 =	vadd.s32 s24, v1;
	v7 =	vld.idx.msk [tilespmem:v7+s10+$0x0], $0xffff  }
0x7b: {  	v15 =	vadd.s32 s26, v1;
	v8 =	vld.idx.msk [tilespmem:v8+s10+$0x0], $0xffff  }
0x7c: {  	s25 =	simm.s32 $0xF;
	v9 =	vld.idx.msk [tilespmem:v9+s10+$0x0], $0xffff;
	v4 =	vadd.s32 v2, v4  }
0x7d: {  	v13 =	vadd.s32 s25, v1;
	v10 =	vld.idx.msk [tilespmem:v10+s10+$0x0], $0xffff  }
0x7e: {  	v11 =	vld.idx.msk [tilespmem:v11+s10+$0x0], $0xffff;
	v14 =	vadd.s32 v2, v5  }
0x7f: {  	v5 =	vld.idx.msk [tilespmem:v12+s10+$0x0], $0xffff;
	v7 =	vadd.s32 v2, v7  }
0x80: {  	v61 =	vadd.s32 v2, v6;
	v8 =	vadd.s32 v2, v8;
	v6 =	vld.idx.msk [tilespmem:v15+s10+$0x0], $0xffff  }
0x81: {  	[tilespmem:v4+s13+$0x0] =	vst.idx.add.f32.msk $0xffff, v3  }
0x82: {  	v62 =	vadd.s32 v2, v9;
	v4 =	vld.idx.msk [tilespmem:v13+s10+$0x0], $0xffff  }
0x83: {  	v63 =	vadd.s32 v2, v10;
	[tilespmem:v14+s13+$0x0] =	vst.idx.add.f32.msk $0xffff, v3  }
0x84: {  	s28 =	simm.s32 $0xD;
	[tilespmem:v7+s13+$0x0] =	vst.idx.add.f32.msk $0xffff, v3;
	v7 =	vadd.s32 v2, v11  }
0x85: {  	s29 =	simm.s32 $0xC;
	[tilespmem:v8+s13+$0x0] =	vst.idx.add.f32.msk $0xffff, v3;
	v8 =	vadd.s32 s28, v1  }
0x86: {  	s30 =	simm.s32 $0xB;
	v9 =	vadd.s32 s29, v1;
	[tilespmem:v61+s13+$0x0] =	vst.idx.add.f32.msk $0xffff, v3  }
0x87: {  	s31 =	simm.s32 $0xA;
	v10 =	vadd.s32 s30, v1;
	[tilespmem:v62+s13+$0x0] =	vst.idx.add.f32.msk $0xffff, v3  }
0x88: {  	s20 =	simm.s32 $0x9;
	s19 =	simm.s32 $0x10;
	v11 =	vadd.s32 s31, v1;
	[tilespmem:v63+s13+$0x0] =	vst.idx.add.f32.msk $0xffff, v3  }
.LBB2_9:
0x89: {  	p0 =	slt.u32 s19, $0xC0;
	v12 =	vadd.s32 s20, v1;
	[tilespmem:v7+s13+$0x0] =	vst.idx.add.f32.msk $0xffff, v3  }
0x8a: {  	v7 =	vadd.s32 s19, v1;
	v8 =	vld.idx.msk [tilespmem:v8+s10+$0x0], $0xffff  }
0x8b: {  	s20 =	sadd.s32 $0x7, s19;
	v13 =	vadd.s32 v2, v5;
	v9 =	vld.idx.msk [tilespmem:v9+s10+$0x0], $0xffff  }
0x8c: {  	v14 =	vadd.s32 s20, v1;
	v10 =	vld.idx.msk [tilespmem:v10+s10+$0x0], $0xffff  }
0x8d: {  	v15 =	vadd.s32 v2, v4;
	s20 =	sadd.s32 $0x6, s19;
	v11 =	vld.idx.msk [tilespmem:v11+s10+$0x0], $0xffff  }
0x8e: {  	v16 =	vadd.s32 s20, v1;
	v12 =	vld.idx.msk [tilespmem:v12+s10+$0x0], $0xffff  }
0x8f: {  	v17 =	vadd.s32 v2, v6;
	v5 =	vld.idx.msk [tilespmem:v7+s10+$0x0], $0xffff  }
0x90: {  	[tilespmem:v13+s13+$0x0] =	vst.idx.add.f32.msk $0xffff, v3;
	v13 =	vadd.s32 v2, v8  }
0x91: {  	v4 =	vld.idx.msk [tilespmem:v14+s10+$0x0], $0xffff;
	v14 =	vadd.s32 v2, v9  }
0x92: {  	v18 =	vadd.s32 v2, v10;
	[tilespmem:v15+s13+$0x0] =	vst.idx.add.f32.msk $0xffff, v3  }
0x93: {  	v15 =	vadd.s32 v2, v11;
	v6 =	vld.idx.msk [tilespmem:v16+s10+$0x0], $0xffff  }
.Ltmp3:
0x94: {  	s20 =	sadd.s32 $0x5, s19;
	v7 =	vadd.s32 v2, v12;
	[tilespmem:v17+s13+$0x0] =	vst.idx.add.f32.msk $0xffff, v3;
	(pc) =	sbr.rel @p0 .LBB2_9-.Ltmp3, $4  }
0x95: {  	s21 =	sadd.s32 $0x4, s19;
	v8 =	vadd.s32 s20, v1;
	[tilespmem:v13+s13+$0x0] =	vst.idx.add.f32.msk $0xffff, v3  }
0x96: {  	s20 =	sadd.s32 $0x3, s19;
	v9 =	vadd.s32 s21, v1;
	[tilespmem:v14+s13+$0x0] =	vst.idx.add.f32.msk $0xffff, v3  }
0x97: {  	s21 =	sadd.s32 $0x2, s19;
	v10 =	vadd.s32 s20, v1;
	[tilespmem:v18+s13+$0x0] =	vst.idx.add.f32.msk $0xffff, v3  }
0x98: {  	s20 =	sadd.s32 $0x1, s19;
	s19 =	sadd.s32 $0x8, s19;
	v11 =	vadd.s32 s21, v1;
	[tilespmem:v15+s13+$0x0] =	vst.idx.add.f32.msk $0xffff, v3  }
0x99: {  	_ =	sdelay $0x2  }
0x9a: {  	v12 =	vadd.s32 s20, v1  }
0x9b: {  	v8 =	vld.idx.msk [tilespmem:v8+s10+$0x0], $0xffff  }
0x9c: {  	v9 =	vld.idx.msk [tilespmem:v9+s10+$0x0], $0xffff  }
0x9d: {  	v5 =	vadd.s32 v2, v5;
	v10 =	vld.idx.msk [tilespmem:v10+s10+$0x0], $0xffff  }
0x9e: {  	v11 =	vld.idx.msk [tilespmem:v11+s10+$0x0], $0xffff;
	v4 =	vadd.s32 v2, v4  }
0x9f: {  	v6 =	vadd.s32 v2, v6;
	v12 =	vld.idx.msk [tilespmem:v12+s10+$0x0], $0xffff  }
0xa0: {  	v8 =	vadd.s32 v2, v8  }
0xa1: {  	[tilespmem:v7+s13+$0x0] =	vst.idx.add.f32.msk $0xffff, v3;
	v62 =	vadd.s32 v2, v9  }
0xa2: {  	[tilespmem:v5+s13+$0x0] =	vst.idx.add.f32.msk $0xffff, v3;
	v5 =	vadd.s32 v2, v10  }
0xa3: {  	[tilespmem:v4+s13+$0x0] =	vst.idx.add.f32.msk $0xffff, v3;
	v4 =	vadd.s32 v2, v11  }
0xa4: {  	s17 =	sadd.s32 $0x1, s17;
	[tilespmem:v6+s13+$0x0] =	vst.idx.add.f32.msk $0xffff, v3;
	v63 =	vadd.s32 v2, v12  }
0xa5: {  	p0 =	sne.s32 s17, $0x4;
	[tilespmem:v8+s13+$0x0] =	vst.idx.add.f32.msk $0xffff, v3  }
.Ltmp4:
0xa6: {  	[tilespmem:v62+s13+$0x0] =	vst.idx.add.f32.msk $0xffff, v3;
	(pc) =	sbr.rel @p0 .LBB2_2-.Ltmp4, $4  }
0xa7: {  	[tilespmem:v5+s13+$0x0] =	vst.idx.add.f32.msk $0xffff, v3  }
0xa8: {  	s18 =	sshll.u32 s18, $0xB;
	[tilespmem:v4+s13+$0x0] =	vst.idx.add.f32.msk $0xffff, v3  }
0xa9: {  	s18 =	sadd.s32 s18, s6;
	[tilespmem:v63+s13+$0x0] =	vst.idx.add.f32.msk $0xffff, v3  }
0xaa: {  	[hbm4b:s18+s2] =	stream.linear.scatter [tilespmem:s13], [sflag:$0x4], $0x4000, $0x38;
	[tilespmem:$0x9900] =	vst v63  }
0xab: {  	s16 =	sadd.s32 $0x1, s16  }
0xac: {  	_ =	swait.ge [sflag:s14], $0x4000;
	p0 =	sne.s32 s16, s8  }
.Ltmp5:
0xad: {  	[sflag:s14] =	ssyncset.done $0x0;
	(pc) =	sbr.rel @p0 .LBB2_1-.Ltmp5, $4  }
0xae: {  	[sflag:s14] =	ssyncadd.s32 $0xFFFFC000  }
0xaf: {  	_ =	swait.ge [sflag:s15], $0x4000  }
0xb0: {  	[sflag:s15] =	ssyncset.done $0x0  }
0xb1: {  	[sflag:s15] =	ssyncadd.s32 $0xFFFFC000  }
0xb2: {  	_ =	sfence.sel $0x180000  }
0xb3: {  	[bflag:$0x0] =	sbarrier.arrive $0xFFFF  }
0xb4: {  	p0 =	sne.s32 s1, $0x0;
	_ =	strace $0x90000047  }
0xb5: {  	s0 =	sadd.s32 @!p0 $0x100000, s0;
	[bflag:$0x2] =	sbarrier.arrive $0xFFFF  }
0xb6: {  	[sflag:s0] =	ssyncadd.tile.s32 @!p0 $0x1;
	_ =	shalt  }
.Lfunc_end2:
_tile_overlayer_lowered:
.L_overlay_start_2:
0xb7: {  	(tag) =	ssettag $0x2  }
0xb8: {  	s0 =	rddreg [dreg:$0x0];
	s2 =	stileid.u32  }
0xb9: {  	s1 =	rddreg [dreg:$0x1];
	p0 =	sne.s32 s2, $0x0  }
0xba: {  	s3 =	rddreg [dreg:$0x2];
	[bflag:$0x3] =	sbarrier.arrive $0xFFFF;
	s2 =	simm.s32 @!p0 $0x1C05  }
0xbb: {  	[timem:s3], [sflag:s2] =	dma.local @!p0 [hbm:s0], s1  }
0xbc: {  	s0 =	simm.s32 @!p0 $0x5  }
0xbd: {  	_ =	swait.ge @!p0 [sflag:s0], s1  }
0xbe: {  	s1 =	ssub.s32 @!p0 $0x0, s1;
	[sflag:s0] =	ssyncset.done @!p0 $0x0  }
0xbf: {  	[sflag:s0] =	ssyncadd.s32 @!p0 s1  }
0xc0: {  	[bflag:$0x3] =	sbarrier.arrive $0xFFFF  }
0xc1: {  	_ =	shalt  }

// kernel: _run.16.cloned.1.call-start
scs
__scs_entry_jumppad:
0x0: {  	(pc) =	sbr.rel $0x88, $3  }
0x1: {  	(tag) =	ssettag $0x0;
	lr =	simm.s32 $0x1  }
0x2: {  	[smem:$0x3F9F] =	sst lr;
	_ =	strace $0xD0000000  }
0x3: {  	_ = 	snop  }
0x4: {  	_ = 	snop  }
0x5: {  	_ = 	snop  }
0x6: {  	_ = 	snop  }
0x7: {  	_ = 	snop  }
__scs_overlays_trampoline_lowered:
0x8: {  	[smem:$0x3FAE] =	sst s0  }
0x9: {  	[smem:$0x3FAF] =	sst s1  }
0xa: {  	[smem:$0x3FB0] =	sst s2  }
0xb: {  	[smem:$0x3FB1] =	sst s3  }
0xc: {  	[smem:$0x3FB2] =	sst s4  }
0xd: {  	[smem:$0x3FB3] =	sst s5  }
0xe: {  	[smem:$0x3FB4] =	sst s6  }
0xf: {  	[smem:$0x3FB5] =	sst s7  }
0x10: {  	[smem:$0x3FB6] =	sst s8  }
0x11: {  	[smem:$0x3FB7] =	sst s9;
	s0 =	simm.s32 @!p0 $0x0  }
0x12: {  	s1 =	sld [smem:$0x3F9D];
	s0 =	simm.s32 @p0 $0x1  }
0x13: {  	[smem:$0x3FB8] =	sst s0;
	s0 =	simm.s32 @!p1 $0x0  }
0x14: {  	s2 =	sld [smem:$0x3F9C];
	s0 =	simm.s32 @p1 $0x1  }
0x15: {  	[smem:$0x3FB9] =	sst s0;
	s0 =	simm.s32 @!p2 $0x0  }
0x16: {  	s3 =	sld [smem:$0x3FDB];
	s0 =	simm.s32 @p2 $0x1  }
0x17: {  	s4 =	simm.s32 $0x1BF5;
	[smem:$0x3FBB] =	sst s0  }
0x18: {  	s0 =	sld [smem:$0x3F9E];
	_ =	swait.ge [sflag:s4], $0x0  }
0x19: {  	s7 =	sld [smem:$0x3F9F]  }
0x1a: {  	s8 =	sadd.s32 $0xFFFFE003, lr  }
0x1b: {  	s9 =	sadd.s32 $0xFFFFFEF7, lr;
	s5 =	simm.s32 $0xFFFFFFFF;
	p2 =	slt.u32 s8, $0xFFFFF086  }
0x1c: {  	p1 =	slt.u32 s9, $0xF7A;
	s5 =	simm.s32 @!p2 $0x0  }
0x1d: {  	s5 =	simm.s32 @p1 $0x1;
	p0 =	seq.s32 s7, s2  }
0x1e: {  	s7 =	smul.u32 @!p0 $0xF7A, s2;
	p2 =	seq.s32 @!p0 s5, $0x0  }
0x1f: {  	s9 =	smul.u32 $0xF7A, s1;
	s8 =	simm.s32 @!p0 $0x1BF5;
	p2 =	por !p2, p0  }
0x20: {  	[sflag:s8] =	ssyncset.s32 @!p0 $0xFFFFF086;
	s6 =	sadd.s32 @!p0 s3, s7;
	s7 =	simm.s32 @!p0 $0x108  }
0x21: {  	s3 =	sadd.s32 s3, s9;
	s6 =	sadd.s32 @!p0 $0x88, s6;
	s7 =	simm.s32 @p2 $0x1082  }
0x22: {  	[simem:s7], [sflag:s8] =	dma.local @!p0 [hbm:s6], $0xF7A  }
0x23: {  	s9 =	sor.u32 $0xD0000000, s2;
	s6 =	simm.s32 $0x108;
	_ =	swait.ge @!p0 [sflag:s8], $0x0  }
0x24: {  	s3 =	sadd.s32 $0x88, s3;
	s6 =	simm.s32 @!p1 $0x1082;
	[sflag:s4] =	ssyncset.s32 $0xFFFFF086  }
0x25: {  	[simem:s6], [sflag:s4] =	dma.local [hbm:s3], $0xF7A  }
0x26: {  	[smem:$0x3F9F] =	sst s1;
	(tag) =	ssettag s2;
	_ =	strace s9  }
0x27: {  	s1 =	sld [smem:$0x3FAF]  }
0x28: {  	s2 =	sld [smem:$0x3FB0]  }
0x29: {  	s4 =	sld [smem:$0x3FB2]  }
0x2a: {  	p0 =	seq.s32 s5, $0x0;
	s5 =	sld [smem:$0x3FB3]  }
0x2b: {  	s6 =	sld [smem:$0x3FB4]  }
0x2c: {  	s7 =	sld [smem:$0x3FB5]  }
0x2d: {  	s3 =	simm.s32 $0x108;
	s8 =	sld [smem:$0x3FB6]  }
0x2e: {  	s3 =	simm.s32 @!p0 $0x1082;
	s9 =	sld [smem:$0x3FB7]  }
0x2f: {  	lr =	sadd.s32 s0, s3;
	s0 =	sld [smem:$0x3FAE]  }
0x30: {  	s3 =	sld [smem:$0x3FB1]  }
0x31: {  	[smem:$0x3FBA] =	sst s10  }
0x32: {  	s10 =	sld [smem:$0x3FB8];
	_ =	sdelay $0x3  }
0x33: {  	p0 =	seq.s32 s10, $0x1;
	s10 =	sld [smem:$0x3FBA];
	_ =	sdelay $0x3  }
0x34: {  	[smem:$0x3FBA] =	sst s10  }
0x35: {  	s10 =	sld [smem:$0x3FB9];
	_ =	sdelay $0x3  }
0x36: {  	p1 =	seq.s32 s10, $0x1;
	s10 =	sld [smem:$0x3FBA];
	_ =	sdelay $0x3  }
0x37: {  	[smem:$0x3FBA] =	sst s10  }
0x38: {  	s10 =	sld [smem:$0x3FBB]  }
0x39: {  	_ = 	snop;
	(pc) =	sbr.ind lr, $3  }
0x3a: {  	_ = 	snop  }
0x3b: {  	_ = 	snop  }
0x3c: {  	p2 =	seq.s32 s10, $0x1;
	s10 =	sld [smem:$0x3FBA]  }
0x3d: {  	_ =	shalt  }
0x3e: {  	_ =	shalt  }
0x3f: {  	_ =	shalt  }
0x40: {  	_ =	shalt  }
0x41: {  	_ =	shalt  }
0x42: {  	_ =	shalt  }
0x43: {  	_ =	shalt  }
0x44: {  	_ =	shalt  }
0x45: {  	_ =	shalt  }
0x46: {  	_ =	shalt  }
0x47: {  	_ =	shalt  }
0x48: {  	_ =	shalt  }
0x49: {  	_ =	shalt  }
0x4a: {  	_ =	shalt  }
0x4b: {  	_ =	shalt  }
0x4c: {  	_ =	shalt  }
0x4d: {  	_ =	shalt  }
0x4e: {  	_ =	shalt  }
0x4f: {  	_ =	shalt  }
0x50: {  	_ =	shalt  }
0x51: {  	_ =	shalt  }
0x52: {  	_ =	shalt  }
0x53: {  	_ =	shalt  }
0x54: {  	_ =	shalt  }
0x55: {  	_ =	shalt  }
0x56: {  	_ =	shalt  }
0x57: {  	_ =	shalt  }
0x58: {  	_ =	shalt  }
0x59: {  	_ =	shalt  }
0x5a: {  	_ =	shalt  }
0x5b: {  	_ =	shalt  }
0x5c: {  	_ =	shalt  }
0x5d: {  	_ =	shalt  }
0x5e: {  	_ =	shalt  }
0x5f: {  	_ =	shalt  }
0x60: {  	_ =	shalt  }
0x61: {  	_ =	shalt  }
0x62: {  	_ =	shalt  }
0x63: {  	_ =	shalt  }
0x64: {  	_ =	shalt  }
0x65: {  	_ =	shalt  }
0x66: {  	_ =	shalt  }
0x67: {  	_ =	shalt  }
0x68: {  	_ =	shalt  }
0x69: {  	_ =	shalt  }
0x6a: {  	_ =	shalt  }
0x6b: {  	_ =	shalt  }
0x6c: {  	_ =	shalt  }
0x6d: {  	_ =	shalt  }
0x6e: {  	_ =	shalt  }
0x6f: {  	_ =	shalt  }
0x70: {  	_ =	shalt  }
0x71: {  	_ =	shalt  }
0x72: {  	_ =	shalt  }
0x73: {  	_ =	shalt  }
0x74: {  	_ =	shalt  }
0x75: {  	_ =	shalt  }
0x76: {  	_ =	shalt  }
0x77: {  	_ =	shalt  }
0x78: {  	_ =	shalt  }
0x79: {  	_ =	shalt  }
0x7a: {  	_ =	shalt  }
0x7b: {  	_ =	shalt  }
0x7c: {  	_ =	shalt  }
0x7d: {  	_ =	shalt  }
0x7e: {  	_ =	shalt  }
0x7f: {  	_ =	shalt  }
0x80: {  	_ =	shalt  }
0x81: {  	_ =	shalt  }
0x82: {  	_ =	shalt  }
0x83: {  	_ =	shalt  }
0x84: {  	_ =	shalt  }
0x85: {  	_ =	shalt  }
0x86: {  	_ =	shalt  }
0x87: {  	_ =	shalt  }
.Lfunc_end0:
.L_simem_size_0:
called_computation.2_lowered:
.L_overlay_start_0:
0x88: {  	s2 =	sld [smem:$0x3FD9]  }
0x89: {  	s3 =	sld [smem:$0x3FFE];
	_ =	sdelay $0x1  }
0x8a: {  	s1 =	srdreg.scid  }
0x8b: {  	s0 =	sand.u32 $0x1, s1  }
0x8c: {  	s17 =	sshll.u32 s0, $0xA;
	s2 =	sadd.s32 s3, s2  }
0x8d: {  	s2 =	sadd.s32 s2, s17  }
0x8e: {  	[smem:$0x3FC6] =	sst s2  }
0x8f: {  	_ = 	snop  }
0x90: {  	(tm) =	ssettm $0x1  }
0x91: {  	s18 =	sld [smem:$0x3FFB];
	_ =	sdelay $0x3  }
0x92: {  	_ =	strace s18  }
0x93: {  	s2 =	sld [smem:$0x3FFC];
	_ =	sdelay $0x3  }
0x94: {  	_ =	strace s2  }
0x95: {  	s2 =	sld [smem:$0x3FFD];
	_ =	sdelay $0x3  }
0x96: {  	_ =	strace s2  }
0x97: {  	_ =	strace $0x8FFFFFFF  }
0x98: {  	s19 =	sld [smem:$0x3FDB];
	_ =	sdelay $0x1  }
0x99: {  	s20 =	simm.s32 $_scs_section_size  }
0x9a: {  	s4 =	simm.s32 $_size__tile_overlayer_lowered;
	s5 =	simm.s32 $_tile_overlayer_lowered  }
0x9b: {  	s6 =	simm.s32 $0x1BFF;
	s21 =	sshll.u32 s5, $0x1;
	s3 =	sadd.s32 s20, s19  }
0x9c: {  	s22 =	simm.s32 $0x0;
	s4 =	sshll.u32 s4, $0x1;
	s5 =	sadd.s32 s21, s3  }
0x9d: {  	[timem:s22], [sflag:s6] =	dma.local [hbm:s5], s4  }
0x9e: {  	_ =	swait.ge [sflag:s6], s4  }
0x9f: {  	s4 =	ssub.s32 $0x0, s4;
	[sflag:s6] =	ssyncset.done $0x0  }
0xa0: {  	[sflag:s6] =	ssyncadd.s32 s4;
	_ =	sdelay $0x1  }
0xa1: {  	s23 =	simm.s32 $0x1B8B  }
0xa2: {  	_ =	swait.ge [sflag:s23], $0x1  }
0xa3: {  	[sflag:s23] =	ssyncset.done $0x0  }
0xa4: {  	[sflag:s23] =	ssyncadd.s32 $0xFFFFFFFF  }
0xa5: {  	s4 =	sld [smem:$0x0]  }
0xa6: {  	s5 =	sand.u32 $0xFFFFFFFE, s1  }
0xa7: {  	p0 =	sne.s32 s1, s5  }
0xa8: {  	s5 =	sshll.u32 @p0 s5, $0xE  }
0xa9: {  	s5 =	sadd.s32 @p0 $0x11B8D, s5;
	s6 =	sshll.u32 @p0 s4, $0x11  }
0xaa: {  	s5 =	sor.u32 @p0 s6, s5  }
0xab: {  	[sflag:s5] =	ssyncadd.remote.s32 @p0 $0x1;
	_ =	sdelay $0x1  }
0xac: {  	s5 =	simm.s32 @p0 $0x1B8D  }
0xad: {  	_ =	swait.eq @p0 [sflag:s5], $0x1  }
0xae: {  	[sflag:s5] =	ssyncadd.s32 @p0 $0xFFFFFFFF  }
0xaf: {  	s6 =	sshll.u32 @!p0 s1, $0xE  }
0xb0: {  	s6 =	sor.u32 @!p0 $0x4000, s6;
	s5 =	simm.s32 @!p0 $0x1B8D  }
0xb1: {  	s4 =	sshll.u32 @!p0 s4, $0x11;
	s6 =	sadd.s32 @!p0 $0x11B8D, s6;
	_ =	swait.eq @!p0 [sflag:s5], $0x1  }
0xb2: {  	s4 =	sor.u32 @!p0 s4, s6;
	[sflag:s5] =	ssyncadd.s32 @!p0 $0xFFFFFFFF  }
0xb3: {  	s25 =	simm.s32 $0x1B8E;
	s24 =	sld [smem:$0x3FFE];
	[sflag:s4] =	ssyncadd.remote.s32 @!p0 $0x1  }
0xb4: {  	s26 =	simm.s32 $execute0_lowered;
	[smem:$0x3FD2] =	sst s25  }
0xb5: {  	s5 =	sshll.u32 s26, $0x1;
	_ =	strace $0x80000049;
	[dreg:$0x1] =	wrdreg $0xFFFFFFFF  }
0xb6: {  	s28 =	simm.s32 $_size_execute0_lowered;
	s3 =	sadd.s32 s3, s5;
	[dreg:$0x0] =	wrdreg $0x0  }
0xb7: {  	s5 =	sshll.u32 s28, $0x1;
	[dreg:$0x2] =	wrdreg s3  }
0xb8: {  	[dreg:$0x3] =	wrdreg s5  }
0xb9: {  	[dreg:$0x4] =	wrdreg $0xC0  }
0xba: {  	_ =	task [dreg:s22], $0x5FFFF  }
0xbb: {  	[dreg:$0x1] =	wrdreg $0xFFFFFFFF  }
0xbc: {  	[dreg:$0x0] =	wrdreg $0x60  }
0xbd: {  	[dreg:$0x2] =	wrdreg s24  }
0xbe: {  	[dreg:$0x3] =	wrdreg $0xB  }
0xbf: {  	_ =	task.clear_ibuf [dreg:s22], $0x4FFFF;
	_ =	strace $0x90000049  }
0xc0: {  	s29 =	simm.s32 $0xB;
	_ =	strace $0x8000004B  }
0xc1: {  	_ =	swait.ge [sflag:s29], $0x1  }
0xc2: {  	[sflag:s29] =	ssyncadd.s32 $0xFFFFFFFF  }
0xc3: {  	_ =	strace $0x9000004B  }
0xc4: {  	_ =	sfence  }
0xc5: {  	s30 =	sld [smem:$0x0];
	_ =	sdelay $0x2  }
0xc6: {  	s31 =	sshll.u32 s1, $0xD;
	s1 =	sshrl.u32 s1, $0x2  }
0xc7: {  	s4 =	sand.u32 $0x4000, s31;
	s1 =	sadd.s32 s1, s30  }
0xc8: {  	s0 =	sor.u32 s4, s0;
	s1 =	sshll.u32 s1, $0x11  }
0xc9: {  	s0 =	sor.u32 s1, s0  }
0xca: {  	s0 =	sadd.s32 $0x8F2B, s0  }
0xcb: {  	[sflag:s0] =	ssyncadd.remote.s32 $0x1  }
0xcc: {  	_ =	sfence.sel $0xFFFF  }
0xcd: {  	[dreg:$0x0] =	wrdreg $0xFFFFFFFF;
	(pc) =	sbr.abs _section_cstart, $3  }
0xce: {  	[dreg:$0x1] =	wrdreg $0xFFFFFFFF  }
0xcf: {  	_ =	task.clear_ibuf [dreg:s22], $0x2FFFF;
	_ =	strace $0x9FFFFFFF  }
0xd0: {  	(tm) =	ssettm $0x7FFFFFFF  }
0xd1: {  	_ =	shalt  }
tec
execute0_lowered:
.L_overlay_start_1:
0x0: {  	(tag) =	ssettag $0x1  }
0x1: {  	s4 =	rddreg [dreg:$0x0]  }
0x2: {  	s0 =	rddreg [dreg:$0x1];
	s2 =	simm.s32 $0x0  }
0x3: {  	s3 =	srdreg.scid;
	s1 =	stileid.u32;
	s10 =	simm.s32 $0xC80  }
0x4: {  	s11 =	simm.s32 $0x1900;
	s12 =	simm.s32 $0x2;
	s13 =	simm.s32 $0x5900  }
0x5: {  	s14 =	simm.s32 $0x3;
	s15 =	simm.s32 $0x4;
	s16 =	simm.s32 $0x0  }
0x6: {  	[smem:$0x7FF] =	sst s2;
	s5 =	sand.u32 $0x1, s3;
	s6 =	sshll.u32 s1, $0x1  }
0x7: {  	s3 =	sadd.s32 $0x9AC00, s4;
	s6 =	sor.u32 s5, s6;
	s5 =	ssub.s32 $0x2, s5  }
0x8: {  	s7 =	sshll.u32 s6, $0xE;
	s8 =	sshrl.u32 s5, $0x1;
	s9 =	smul.u32 $0xC80, s6  }
0x9: {  	v2 =	vlaneseq.u32;
	_ =	strace $0x8000004A;
	s7 =	sadd.s32 s7, s4;
	s8 =	ssub.s32 s5, s8  }
0xa: {  	v1 =	vmul.u32 $0xC8, v2;
	s4 =	sshll.u32 s6, $0x7;
	s5 =	sadd.s32 s3, s9;
	s6 =	sadd.s32 $0xB3C00, s7  }
0xb: {  	v0 =	vimm.f32 $0.0e+00;
	v3 =	vimm.f32 $1.000000000e+00;
	v2 =	vmul.u32 $0x400, v2;
	s7 =	sor.u32 $0x20, s4;
	s8 =	smax.u32 s8, $0x1;
	s9 =	simm.s32 $0x1  }
.LBB2_1:
0xc: {  	[tilespmem:s2], [sflag:$0x1] =	stream.linear.gather [hbm4b:s5+s2], $0xC80, $0x38;
	[tilespmem:$0x9900] =	vst v63  }
0xd: {  	s17 =	simm.s32 $0x0  }
.LBB2_2:
0xe: {  	p0 =	seq.s32 s17, $0x0  }
0xf: {  	s18 =	simm.s32 @!p0 $0x3  }
0x10: {  	_ =	swait.ge @!p0 [sflag:s18], $0x4000  }
0x11: {  	[sflag:s18] =	ssyncset.done @!p0 $0x0  }
0x12: {  	s19 =	simm.s32 $0x1940;
	[sflag:s18] =	ssyncadd.s32 @!p0 $0xFFFFC000  }
0x13: {  	[tilespmem:s19+$0xFFFFFFC0] =	vst v0  }
0x14: {  	[tilespmem:s19+$0x30] =	vst v0  }
0x15: {  	[tilespmem:s19+$0x20] =	vst v0  }
0x16: {  	[tilespmem:s19+$0x10] =	vst v0  }
0x17: {  	[tilespmem:s19+$0x0] =	vst v0  }
0x18: {  	[tilespmem:s19+$0xFFFFFFF0] =	vst v0  }
0x19: {  	s20 =	simm.s32 $0x0;
	s18 =	sshll.u32 s17, $0x1;
	[tilespmem:s19+$0xFFFFFFE0] =	vst v0  }
.LBB2_3:
0x1a: {  	s20 =	sadd.s32 $0x8, s20;
	[tilespmem:s19+$0xFFFFFFD0] =	vst v0;
	s19 =	sadd.s32 $0x80, s19  }
0x1b: {  	[tilespmem:s19+$0xFFFFFFC0] =	vst v0;
	p1 =	slt.u32 s20, $0x3F8  }
0x1c: {  	[tilespmem:s19+$0x30] =	vst v0  }
.Ltmp0:
0x1d: {  	[tilespmem:s19+$0x20] =	vst v0;
	(pc) =	sbr.rel @p1 .LBB2_3-.Ltmp0, $4  }
0x1e: {  	[tilespmem:s19+$0x10] =	vst v0  }
0x1f: {  	[tilespmem:s19+$0x0] =	vst v0  }
0x20: {  	[tilespmem:s19+$0xFFFFFFF0] =	vst v0  }
0x21: {  	[tilespmem:s19+$0xFFFFFFE0] =	vst v0  }
0x22: {  	s18 =	sor.u32 $0x1, s18  }
0x23: {  	s29 =	simm.s32 $0x0;
	s20 =	sshll.u32 s18, $0x4  }
0x24: {  	[tilespmem:s19+$0xFFFFFFD0] =	vst v0;
	s30 =	simm.s32 $0x7;
	v4 =	vadd.s32 s29, v1;
	s28 =	sadd.s32 s4, s20  }
0x25: {  	s31 =	simm.s32 $0x6;
	_ =	swait.ge [sflag:s9], $0xC80;
	v5 =	vadd.s32 s30, v1;
	s19 =	smul.u32 $0x19, s28  }
0x26: {  	s21 =	simm.s32 $0x4;
	v6 =	vadd.s32 s31, v1;
	[sflag:s9] =	ssyncset.done $0x0;
	s20 =	simm.s32 $0x5  }
0x27: {  	s22 =	simm.s32 $0x3;
	[sflag:s9] =	ssyncadd.s32 $0xFFFFF380;
	v7 =	vadd.s32 s20, v1;
	s19 =	sadd.s32 s3, s19  }
0x28: {  	v8 =	vadd.s32 s21, v1;
	[tilespmem:s10], [sflag:$0x2] =	stream.linear.gather [hbm4b:s19+s29], $0xC80, $0x38;
	[tilespmem:$0x9900] =	vst v63  }
0x29: {  	s23 =	simm.s32 $0x2;
	v9 =	vadd.s32 s22, v1;
	v4 =	vld.idx.msk [tilespmem:v4+s2+$0x0], $0xffff  }
0x2a: {  	s24 =	simm.s32 $0x1;
	v10 =	vadd.s32 s23, v1;
	v5 =	vld.idx.msk [tilespmem:v5+s2+$0x0], $0xffff  }
0x2b: {  	s25 =	simm.s32 $0x8;
	v11 =	vadd.s32 s24, v1;
	v6 =	vld.idx.msk [tilespmem:v6+s2+$0x0], $0xffff  }
0x2c: {  	v12 =	vadd.s32 s25, v1;
	s28 =	simm.s32 $0xE;
	v7 =	vld.idx.msk [tilespmem:v7+s2+$0x0], $0xffff  }
0x2d: {  	v15 =	vadd.s32 s28, v1;
	v8 =	vld.idx.msk [tilespmem:v8+s2+$0x0], $0xffff  }
0x2e: {  	s26 =	simm.s32 $0xF;
	v9 =	vld.idx.msk [tilespmem:v9+s2+$0x0], $0xffff;
	v4 =	vadd.s32 v2, v4  }
0x2f: {  	v13 =	vadd.s32 s26, v1;
	v10 =	vld.idx.msk [tilespmem:v10+s2+$0x0], $0xffff  }
0x30: {  	v11 =	vld.idx.msk [tilespmem:v11+s2+$0x0], $0xffff;
	v14 =	vadd.s32 v2, v5  }
0x31: {  	v5 =	vld.idx.msk [tilespmem:v12+s2+$0x0], $0xffff;
	v7 =	vadd.s32 v2, v7  }
0x32: {  	v61 =	vadd.s32 v2, v6;
	v8 =	vadd.s32 v2, v8;
	v6 =	vld.idx.msk [tilespmem:v15+s2+$0x0], $0xffff  }
0x33: {  	[tilespmem:v4+s11+$0x0] =	vst.idx.add.f32.msk $0xffff, v3  }
0x34: {  	v62 =	vadd.s32 v2, v9;
	v4 =	vld.idx.msk [tilespmem:v13+s2+$0x0], $0xffff  }
0x35: {  	v63 =	vadd.s32 v2, v10;
	[tilespmem:v14+s11+$0x0] =	vst.idx.add.f32.msk $0xffff, v3  }
0x36: {  	s29 =	simm.s32 $0xD;
	[tilespmem:v7+s11+$0x0] =	vst.idx.add.f32.msk $0xffff, v3;
	v7 =	vadd.s32 v2, v11  }
0x37: {  	s30 =	simm.s32 $0xC;
	[tilespmem:v8+s11+$0x0] =	vst.idx.add.f32.msk $0xffff, v3;
	v8 =	vadd.s32 s29, v1  }
0x38: {  	s31 =	simm.s32 $0xB;
	v9 =	vadd.s32 s30, v1;
	[tilespmem:v61+s11+$0x0] =	vst.idx.add.f32.msk $0xffff, v3  }
0x39: {  	s21 =	simm.s32 $0xA;
	v10 =	vadd.s32 s31, v1;
	[tilespmem:v62+s11+$0x0] =	vst.idx.add.f32.msk $0xffff, v3  }
0x3a: {  	s20 =	simm.s32 $0x9;
	s19 =	simm.s32 $0x10;
	[tilespmem:v63+s11+$0x0] =	vst.idx.add.f32.msk $0xffff, v3;
	v11 =	vadd.s32 s21, v1  }
.LBB2_5:
0x3b: {  	p1 =	slt.u32 s19, $0xC0;
	v12 =	vadd.s32 s20, v1;
	[tilespmem:v7+s11+$0x0] =	vst.idx.add.f32.msk $0xffff, v3  }
0x3c: {  	v7 =	vadd.s32 s19, v1;
	v8 =	vld.idx.msk [tilespmem:v8+s2+$0x0], $0xffff  }
0x3d: {  	s20 =	sadd.s32 $0x7, s19;
	v13 =	vadd.s32 v2, v5;
	v9 =	vld.idx.msk [tilespmem:v9+s2+$0x0], $0xffff  }
0x3e: {  	v14 =	vadd.s32 s20, v1;
	v10 =	vld.idx.msk [tilespmem:v10+s2+$0x0], $0xffff  }
0x3f: {  	v15 =	vadd.s32 v2, v4;
	s20 =	sadd.s32 $0x6, s19;
	v11 =	vld.idx.msk [tilespmem:v11+s2+$0x0], $0xffff  }
0x40: {  	v16 =	vadd.s32 s20, v1;
	v12 =	vld.idx.msk [tilespmem:v12+s2+$0x0], $0xffff  }
0x41: {  	v17 =	vadd.s32 v2, v6;
	v5 =	vld.idx.msk [tilespmem:v7+s2+$0x0], $0xffff  }
0x42: {  	[tilespmem:v13+s11+$0x0] =	vst.idx.add.f32.msk $0xffff, v3;
	v13 =	vadd.s32 v2, v8  }
0x43: {  	v4 =	vld.idx.msk [tilespmem:v14+s2+$0x0], $0xffff;
	v14 =	vadd.s32 v2, v9  }
0x44: {  	v18 =	vadd.s32 v2, v10;
	[tilespmem:v15+s11+$0x0] =	vst.idx.add.f32.msk $0xffff, v3  }
0x45: {  	v15 =	vadd.s32 v2, v11;
	v6 =	vld.idx.msk [tilespmem:v16+s2+$0x0], $0xffff  }
.Ltmp1:
0x46: {  	s20 =	sadd.s32 $0x5, s19;
	v7 =	vadd.s32 v2, v12;
	[tilespmem:v17+s11+$0x0] =	vst.idx.add.f32.msk $0xffff, v3;
	(pc) =	sbr.rel @p1 .LBB2_5-.Ltmp1, $4  }
0x47: {  	s21 =	sadd.s32 $0x4, s19;
	v8 =	vadd.s32 s20, v1;
	[tilespmem:v13+s11+$0x0] =	vst.idx.add.f32.msk $0xffff, v3  }
0x48: {  	s20 =	sadd.s32 $0x3, s19;
	v9 =	vadd.s32 s21, v1;
	[tilespmem:v14+s11+$0x0] =	vst.idx.add.f32.msk $0xffff, v3  }
0x49: {  	s21 =	sadd.s32 $0x2, s19;
	v10 =	vadd.s32 s20, v1;
	[tilespmem:v18+s11+$0x0] =	vst.idx.add.f32.msk $0xffff, v3  }
0x4a: {  	s20 =	sadd.s32 $0x1, s19;
	s19 =	sadd.s32 $0x8, s19;
	v11 =	vadd.s32 s21, v1;
	[tilespmem:v15+s11+$0x0] =	vst.idx.add.f32.msk $0xffff, v3  }
0x4b: {  	_ =	sdelay $0x2  }
0x4c: {  	v12 =	vadd.s32 s20, v1  }
0x4d: {  	v8 =	vld.idx.msk [tilespmem:v8+s2+$0x0], $0xffff  }
0x4e: {  	v9 =	vld.idx.msk [tilespmem:v9+s2+$0x0], $0xffff  }
0x4f: {  	v5 =	vadd.s32 v2, v5;
	v10 =	vld.idx.msk [tilespmem:v10+s2+$0x0], $0xffff  }
0x50: {  	v11 =	vld.idx.msk [tilespmem:v11+s2+$0x0], $0xffff;
	v4 =	vadd.s32 v2, v4  }
0x51: {  	v6 =	vadd.s32 v2, v6;
	v12 =	vld.idx.msk [tilespmem:v12+s2+$0x0], $0xffff  }
0x52: {  	v8 =	vadd.s32 v2, v8  }
0x53: {  	[tilespmem:v7+s11+$0x0] =	vst.idx.add.f32.msk $0xffff, v3;
	v62 =	vadd.s32 v2, v9  }
0x54: {  	[tilespmem:v5+s11+$0x0] =	vst.idx.add.f32.msk $0xffff, v3;
	v5 =	vadd.s32 v2, v10  }
0x55: {  	[tilespmem:v4+s11+$0x0] =	vst.idx.add.f32.msk $0xffff, v3;
	v4 =	vadd.s32 v2, v11  }
0x56: {  	[tilespmem:v6+s11+$0x0] =	vst.idx.add.f32.msk $0xffff, v3;
	v63 =	vadd.s32 v2, v12  }
0x57: {  	[tilespmem:v8+s11+$0x0] =	vst.idx.add.f32.msk $0xffff, v3  }
0x58: {  	[tilespmem:v62+s11+$0x0] =	vst.idx.add.f32.msk $0xffff, v3  }
0x59: {  	[tilespmem:v5+s11+$0x0] =	vst.idx.add.f32.msk $0xffff, v3  }
0x5a: {  	s19 =	sshll.u32 s17, $0xC;
	[tilespmem:v4+s11+$0x0] =	vst.idx.add.f32.msk $0xffff, v3  }
0x5b: {  	s19 =	sadd.s32 s19, s6;
	[tilespmem:v63+s11+$0x0] =	vst.idx.add.f32.msk $0xffff, v3  }
0x5c: {  	[hbm4b:s19+s2] =	stream.linear.scatter [tilespmem:s11], [sflag:$0x3], $0x4000, $0x38;
	[tilespmem:$0x9900] =	vst v63  }
0x5d: {  	s19 =	simm.s32 @!p0 $0x4  }
0x5e: {  	_ =	swait.ge @!p0 [sflag:s19], $0x4000  }
0x5f: {  	[sflag:s19] =	ssyncset.done @!p0 $0x0  }
0x60: {  	[sflag:s19] =	ssyncadd.s32 @!p0 $0xFFFFC000;
	s19 =	simm.s32 $0x5940  }
0x61: {  	[tilespmem:s19+$0xFFFFFFC0] =	vst v0  }
0x62: {  	[tilespmem:s19+$0x30] =	vst v0  }
0x63: {  	[tilespmem:s19+$0x20] =	vst v0  }
0x64: {  	[tilespmem:s19+$0x10] =	vst v0  }
0x65: {  	[tilespmem:s19+$0x0] =	vst v0  }
0x66: {  	[tilespmem:s19+$0xFFFFFFF0] =	vst v0  }
0x67: {  	s20 =	simm.s32 $0x0;
	[tilespmem:s19+$0xFFFFFFE0] =	vst v0  }
.LBB2_7:
0x68: {  	s20 =	sadd.s32 $0x8, s20;
	[tilespmem:s19+$0xFFFFFFD0] =	vst v0;
	s19 =	sadd.s32 $0x80, s19  }
0x69: {  	[tilespmem:s19+$0xFFFFFFC0] =	vst v0;
	p0 =	slt.u32 s20, $0x3F8  }
0x6a: {  	[tilespmem:s19+$0x30] =	vst v0  }
.Ltmp2:
0x6b: {  	[tilespmem:s19+$0x20] =	vst v0;
	(pc) =	sbr.rel @p0 .LBB2_7-.Ltmp2, $4  }
0x6c: {  	[tilespmem:s19+$0x10] =	vst v0  }
0x6d: {  	[tilespmem:s19+$0x0] =	vst v0  }
0x6e: {  	[tilespmem:s19+$0xFFFFFFF0] =	vst v0  }
0x6f: {  	[tilespmem:s19+$0xFFFFFFE0] =	vst v0  }
0x70: {  	p0 =	seq.s32 s17, $0x3  }
0x71: {  	[tilespmem:s19+$0xFFFFFFD0] =	vst v0;
	s21 =	simm.s32 $0x0;
	s19 =	sshll.u32 @!p0 s17, $0x5  }
0x72: {  	s28 =	simm.s32 $0x7;
	s29 =	simm.s32 $0x6;
	v4 =	vadd.s32 s21, v1;
	s19 =	sadd.s32 @!p0 s19, s7  }
0x73: {  	s30 =	simm.s32 $0x5;
	_ =	swait.ge [sflag:s12], $0xC80;
	v5 =	vadd.s32 s28, v1;
	s19 =	smul.u32 @!p0 $0x19, s19  }
0x74: {  	s31 =	simm.s32 $0x4;
	s20 =	simm.s32 @!p0 $0x0;
	v6 =	vadd.s32 s29, v1;
	[sflag:s12] =	ssyncset.done $0x0  }
0x75: {  	v7 =	vadd.s32 s30, v1;
	s21 =	simm.s32 $0x3;
	[sflag:s12] =	ssyncadd.s32 $0xFFFFF380;
	s19 =	sadd.s32 @!p0 s3, s19  }
0x76: {  	v8 =	vadd.s32 s31, v1;
	[tilespmem:s20], [sflag:$0x1] =	stream.linear.gather @!p0 [hbm4b:s19+s20], $0xC80, $0x38;
	[tilespmem:$0x9900] =	vst v63  }
0x77: {  	s22 =	simm.s32 $0x2;
	v9 =	vadd.s32 s21, v1;
	v4 =	vld.idx.msk [tilespmem:v4+s10+$0x0], $0xffff  }
0x78: {  	s23 =	simm.s32 $0x1;
	v10 =	vadd.s32 s22, v1;
	v5 =	vld.idx.msk [tilespmem:v5+s10+$0x0], $0xffff  }
0x79: {  	s24 =	simm.s32 $0x8;
	v11 =	vadd.s32 s23, v1;
	v6 =	vld.idx.msk [tilespmem:v6+s10+$0x0], $0xffff  }
0x7a: {  	s26 =	simm.s32 $0xE;
	v12 =	vadd.s32 s24, v1;
	v7 =	vld.idx.msk [tilespmem:v7+s10+$0x0], $0xffff  }
0x7b: {  	v15 =	vadd.s32 s26, v1;
	v8 =	vld.idx.msk [tilespmem:v8+s10+$0x0], $0xffff  }
0x7c: {  	s25 =	simm.s32 $0xF;
	v9 =	vld.idx.msk [tilespmem:v9+s10+$0x0], $0xffff;
	v4 =	vadd.s32 v2, v4  }
0x7d: {  	v13 =	vadd.s32 s25, v1;
	v10 =	vld.idx.msk [tilespmem:v10+s10+$0x0], $0xffff  }
0x7e: {  	v11 =	vld.idx.msk [tilespmem:v11+s10+$0x0], $0xffff;
	v14 =	vadd.s32 v2, v5  }
0x7f: {  	v5 =	vld.idx.msk [tilespmem:v12+s10+$0x0], $0xffff;
	v7 =	vadd.s32 v2, v7  }
0x80: {  	v61 =	vadd.s32 v2, v6;
	v8 =	vadd.s32 v2, v8;
	v6 =	vld.idx.msk [tilespmem:v15+s10+$0x0], $0xffff  }
0x81: {  	[tilespmem:v4+s13+$0x0] =	vst.idx.add.f32.msk $0xffff, v3  }
0x82: {  	v62 =	vadd.s32 v2, v9;
	v4 =	vld.idx.msk [tilespmem:v13+s10+$0x0], $0xffff  }
0x83: {  	v63 =	vadd.s32 v2, v10;
	[tilespmem:v14+s13+$0x0] =	vst.idx.add.f32.msk $0xffff, v3  }
0x84: {  	s28 =	simm.s32 $0xD;
	[tilespmem:v7+s13+$0x0] =	vst.idx.add.f32.msk $0xffff, v3;
	v7 =	vadd.s32 v2, v11  }
0x85: {  	s29 =	simm.s32 $0xC;
	[tilespmem:v8+s13+$0x0] =	vst.idx.add.f32.msk $0xffff, v3;
	v8 =	vadd.s32 s28, v1  }
0x86: {  	s30 =	simm.s32 $0xB;
	v9 =	vadd.s32 s29, v1;
	[tilespmem:v61+s13+$0x0] =	vst.idx.add.f32.msk $0xffff, v3  }
0x87: {  	s31 =	simm.s32 $0xA;
	v10 =	vadd.s32 s30, v1;
	[tilespmem:v62+s13+$0x0] =	vst.idx.add.f32.msk $0xffff, v3  }
0x88: {  	s20 =	simm.s32 $0x9;
	s19 =	simm.s32 $0x10;
	v11 =	vadd.s32 s31, v1;
	[tilespmem:v63+s13+$0x0] =	vst.idx.add.f32.msk $0xffff, v3  }
.LBB2_9:
0x89: {  	p0 =	slt.u32 s19, $0xC0;
	v12 =	vadd.s32 s20, v1;
	[tilespmem:v7+s13+$0x0] =	vst.idx.add.f32.msk $0xffff, v3  }
0x8a: {  	v7 =	vadd.s32 s19, v1;
	v8 =	vld.idx.msk [tilespmem:v8+s10+$0x0], $0xffff  }
0x8b: {  	s20 =	sadd.s32 $0x7, s19;
	v13 =	vadd.s32 v2, v5;
	v9 =	vld.idx.msk [tilespmem:v9+s10+$0x0], $0xffff  }
0x8c: {  	v14 =	vadd.s32 s20, v1;
	v10 =	vld.idx.msk [tilespmem:v10+s10+$0x0], $0xffff  }
0x8d: {  	v15 =	vadd.s32 v2, v4;
	s20 =	sadd.s32 $0x6, s19;
	v11 =	vld.idx.msk [tilespmem:v11+s10+$0x0], $0xffff  }
0x8e: {  	v16 =	vadd.s32 s20, v1;
	v12 =	vld.idx.msk [tilespmem:v12+s10+$0x0], $0xffff  }
0x8f: {  	v17 =	vadd.s32 v2, v6;
	v5 =	vld.idx.msk [tilespmem:v7+s10+$0x0], $0xffff  }
0x90: {  	[tilespmem:v13+s13+$0x0] =	vst.idx.add.f32.msk $0xffff, v3;
	v13 =	vadd.s32 v2, v8  }
0x91: {  	v4 =	vld.idx.msk [tilespmem:v14+s10+$0x0], $0xffff;
	v14 =	vadd.s32 v2, v9  }
0x92: {  	v18 =	vadd.s32 v2, v10;
	[tilespmem:v15+s13+$0x0] =	vst.idx.add.f32.msk $0xffff, v3  }
0x93: {  	v15 =	vadd.s32 v2, v11;
	v6 =	vld.idx.msk [tilespmem:v16+s10+$0x0], $0xffff  }
.Ltmp3:
0x94: {  	s20 =	sadd.s32 $0x5, s19;
	v7 =	vadd.s32 v2, v12;
	[tilespmem:v17+s13+$0x0] =	vst.idx.add.f32.msk $0xffff, v3;
	(pc) =	sbr.rel @p0 .LBB2_9-.Ltmp3, $4  }
0x95: {  	s21 =	sadd.s32 $0x4, s19;
	v8 =	vadd.s32 s20, v1;
	[tilespmem:v13+s13+$0x0] =	vst.idx.add.f32.msk $0xffff, v3  }
0x96: {  	s20 =	sadd.s32 $0x3, s19;
	v9 =	vadd.s32 s21, v1;
	[tilespmem:v14+s13+$0x0] =	vst.idx.add.f32.msk $0xffff, v3  }
0x97: {  	s21 =	sadd.s32 $0x2, s19;
	v10 =	vadd.s32 s20, v1;
	[tilespmem:v18+s13+$0x0] =	vst.idx.add.f32.msk $0xffff, v3  }
0x98: {  	s20 =	sadd.s32 $0x1, s19;
	s19 =	sadd.s32 $0x8, s19;
	v11 =	vadd.s32 s21, v1;
	[tilespmem:v15+s13+$0x0] =	vst.idx.add.f32.msk $0xffff, v3  }
0x99: {  	_ =	sdelay $0x2  }
0x9a: {  	v12 =	vadd.s32 s20, v1  }
0x9b: {  	v8 =	vld.idx.msk [tilespmem:v8+s10+$0x0], $0xffff  }
0x9c: {  	v9 =	vld.idx.msk [tilespmem:v9+s10+$0x0], $0xffff  }
0x9d: {  	v5 =	vadd.s32 v2, v5;
	v10 =	vld.idx.msk [tilespmem:v10+s10+$0x0], $0xffff  }
0x9e: {  	v11 =	vld.idx.msk [tilespmem:v11+s10+$0x0], $0xffff;
	v4 =	vadd.s32 v2, v4  }
0x9f: {  	v6 =	vadd.s32 v2, v6;
	v12 =	vld.idx.msk [tilespmem:v12+s10+$0x0], $0xffff  }
0xa0: {  	v8 =	vadd.s32 v2, v8  }
0xa1: {  	[tilespmem:v7+s13+$0x0] =	vst.idx.add.f32.msk $0xffff, v3;
	v62 =	vadd.s32 v2, v9  }
0xa2: {  	[tilespmem:v5+s13+$0x0] =	vst.idx.add.f32.msk $0xffff, v3;
	v5 =	vadd.s32 v2, v10  }
0xa3: {  	[tilespmem:v4+s13+$0x0] =	vst.idx.add.f32.msk $0xffff, v3;
	v4 =	vadd.s32 v2, v11  }
0xa4: {  	s17 =	sadd.s32 $0x1, s17;
	[tilespmem:v6+s13+$0x0] =	vst.idx.add.f32.msk $0xffff, v3;
	v63 =	vadd.s32 v2, v12  }
0xa5: {  	p0 =	sne.s32 s17, $0x4;
	[tilespmem:v8+s13+$0x0] =	vst.idx.add.f32.msk $0xffff, v3  }
.Ltmp4:
0xa6: {  	[tilespmem:v62+s13+$0x0] =	vst.idx.add.f32.msk $0xffff, v3;
	(pc) =	sbr.rel @p0 .LBB2_2-.Ltmp4, $4  }
0xa7: {  	[tilespmem:v5+s13+$0x0] =	vst.idx.add.f32.msk $0xffff, v3  }
0xa8: {  	s18 =	sshll.u32 s18, $0xB;
	[tilespmem:v4+s13+$0x0] =	vst.idx.add.f32.msk $0xffff, v3  }
0xa9: {  	s18 =	sadd.s32 s18, s6;
	[tilespmem:v63+s13+$0x0] =	vst.idx.add.f32.msk $0xffff, v3  }
0xaa: {  	[hbm4b:s18+s2] =	stream.linear.scatter [tilespmem:s13], [sflag:$0x4], $0x4000, $0x38;
	[tilespmem:$0x9900] =	vst v63  }
0xab: {  	s16 =	sadd.s32 $0x1, s16  }
0xac: {  	_ =	swait.ge [sflag:s14], $0x4000;
	p0 =	sne.s32 s16, s8  }
.Ltmp5:
0xad: {  	[sflag:s14] =	ssyncset.done $0x0;
	(pc) =	sbr.rel @p0 .LBB2_1-.Ltmp5, $4  }
0xae: {  	[sflag:s14] =	ssyncadd.s32 $0xFFFFC000  }
0xaf: {  	_ =	swait.ge [sflag:s15], $0x4000  }
0xb0: {  	[sflag:s15] =	ssyncset.done $0x0  }
0xb1: {  	[sflag:s15] =	ssyncadd.s32 $0xFFFFC000  }
0xb2: {  	_ =	sfence.sel $0x180000  }
0xb3: {  	[bflag:$0x0] =	sbarrier.arrive $0xFFFF  }
0xb4: {  	p0 =	sne.s32 s1, $0x0;
	_ =	strace $0x9000004A  }
0xb5: {  	s0 =	sadd.s32 @!p0 $0x100000, s0;
	[bflag:$0x2] =	sbarrier.arrive $0xFFFF  }
0xb6: {  	[sflag:s0] =	ssyncadd.tile.s32 @!p0 $0x1;
	_ =	shalt  }
.Lfunc_end2:
_tile_overlayer_lowered:
.L_overlay_start_2:
0xb7: {  	(tag) =	ssettag $0x2  }
0xb8: {  	s0 =	rddreg [dreg:$0x0];
	s2 =	stileid.u32  }
0xb9: {  	s1 =	rddreg [dreg:$0x1];
	p0 =	sne.s32 s2, $0x0  }
0xba: {  	s3 =	rddreg [dreg:$0x2];
	[bflag:$0x3] =	sbarrier.arrive $0xFFFF;
	s2 =	simm.s32 @!p0 $0x1C05  }
0xbb: {  	[timem:s3], [sflag:s2] =	dma.local @!p0 [hbm:s0], s1  }
0xbc: {  	s0 =	simm.s32 @!p0 $0x5  }
0xbd: {  	_ =	swait.ge @!p0 [sflag:s0], s1  }
0xbe: {  	s1 =	ssub.s32 @!p0 $0x0, s1;
	[sflag:s0] =	ssyncset.done @!p0 $0x0  }
0xbf: {  	[sflag:s0] =	ssyncadd.s32 @!p0 s1  }
0xc0: {  	[bflag:$0x3] =	sbarrier.arrive $0xFFFF  }
0xc1: {  	_ =	shalt  }

// kernel: _run.19.cloned.1.call-start
scs
__scs_entry_jumppad:
0x0: {  	(pc) =	sbr.rel $0x88, $3  }
0x1: {  	(tag) =	ssettag $0x0;
	lr =	simm.s32 $0x1  }
0x2: {  	[smem:$0x3F9F] =	sst lr;
	_ =	strace $0xD0000000  }
0x3: {  	_ = 	snop  }
0x4: {  	_ = 	snop  }
0x5: {  	_ = 	snop  }
0x6: {  	_ = 	snop  }
0x7: {  	_ = 	snop  }
__scs_overlays_trampoline_lowered:
0x8: {  	[smem:$0x3FAE] =	sst s0  }
0x9: {  	[smem:$0x3FAF] =	sst s1  }
0xa: {  	[smem:$0x3FB0] =	sst s2  }
0xb: {  	[smem:$0x3FB1] =	sst s3  }
0xc: {  	[smem:$0x3FB2] =	sst s4  }
0xd: {  	[smem:$0x3FB3] =	sst s5  }
0xe: {  	[smem:$0x3FB4] =	sst s6  }
0xf: {  	[smem:$0x3FB5] =	sst s7  }
0x10: {  	[smem:$0x3FB6] =	sst s8  }
0x11: {  	[smem:$0x3FB7] =	sst s9;
	s0 =	simm.s32 @!p0 $0x0  }
0x12: {  	s1 =	sld [smem:$0x3F9D];
	s0 =	simm.s32 @p0 $0x1  }
0x13: {  	[smem:$0x3FB8] =	sst s0;
	s0 =	simm.s32 @!p1 $0x0  }
0x14: {  	s2 =	sld [smem:$0x3F9C];
	s0 =	simm.s32 @p1 $0x1  }
0x15: {  	[smem:$0x3FB9] =	sst s0;
	s0 =	simm.s32 @!p2 $0x0  }
0x16: {  	s3 =	sld [smem:$0x3FDB];
	s0 =	simm.s32 @p2 $0x1  }
0x17: {  	s4 =	simm.s32 $0x1BF5;
	[smem:$0x3FBB] =	sst s0  }
0x18: {  	s0 =	sld [smem:$0x3F9E];
	_ =	swait.ge [sflag:s4], $0x0  }
0x19: {  	s7 =	sld [smem:$0x3F9F]  }
0x1a: {  	s8 =	sadd.s32 $0xFFFFE003, lr  }
0x1b: {  	s9 =	sadd.s32 $0xFFFFFEF7, lr;
	s5 =	simm.s32 $0xFFFFFFFF;
	p2 =	slt.u32 s8, $0xFFFFF086  }
0x1c: {  	p1 =	slt.u32 s9, $0xF7A;
	s5 =	simm.s32 @!p2 $0x0  }
0x1d: {  	s5 =	simm.s32 @p1 $0x1;
	p0 =	seq.s32 s7, s2  }
0x1e: {  	s7 =	smul.u32 @!p0 $0xF7A, s2;
	p2 =	seq.s32 @!p0 s5, $0x0  }
0x1f: {  	s9 =	smul.u32 $0xF7A, s1;
	s8 =	simm.s32 @!p0 $0x1BF5;
	p2 =	por !p2, p0  }
0x20: {  	[sflag:s8] =	ssyncset.s32 @!p0 $0xFFFFF086;
	s6 =	sadd.s32 @!p0 s3, s7;
	s7 =	simm.s32 @!p0 $0x108  }
0x21: {  	s3 =	sadd.s32 s3, s9;
	s6 =	sadd.s32 @!p0 $0x88, s6;
	s7 =	simm.s32 @p2 $0x1082  }
0x22: {  	[simem:s7], [sflag:s8] =	dma.local @!p0 [hbm:s6], $0xF7A  }
0x23: {  	s9 =	sor.u32 $0xD0000000, s2;
	s6 =	simm.s32 $0x108;
	_ =	swait.ge @!p0 [sflag:s8], $0x0  }
0x24: {  	s3 =	sadd.s32 $0x88, s3;
	s6 =	simm.s32 @!p1 $0x1082;
	[sflag:s4] =	ssyncset.s32 $0xFFFFF086  }
0x25: {  	[simem:s6], [sflag:s4] =	dma.local [hbm:s3], $0xF7A  }
0x26: {  	[smem:$0x3F9F] =	sst s1;
	(tag) =	ssettag s2;
	_ =	strace s9  }
0x27: {  	s1 =	sld [smem:$0x3FAF]  }
0x28: {  	s2 =	sld [smem:$0x3FB0]  }
0x29: {  	s4 =	sld [smem:$0x3FB2]  }
0x2a: {  	p0 =	seq.s32 s5, $0x0;
	s5 =	sld [smem:$0x3FB3]  }
0x2b: {  	s6 =	sld [smem:$0x3FB4]  }
0x2c: {  	s7 =	sld [smem:$0x3FB5]  }
0x2d: {  	s3 =	simm.s32 $0x108;
	s8 =	sld [smem:$0x3FB6]  }
0x2e: {  	s3 =	simm.s32 @!p0 $0x1082;
	s9 =	sld [smem:$0x3FB7]  }
0x2f: {  	lr =	sadd.s32 s0, s3;
	s0 =	sld [smem:$0x3FAE]  }
0x30: {  	s3 =	sld [smem:$0x3FB1]  }
0x31: {  	[smem:$0x3FBA] =	sst s10  }
0x32: {  	s10 =	sld [smem:$0x3FB8];
	_ =	sdelay $0x3  }
0x33: {  	p0 =	seq.s32 s10, $0x1;
	s10 =	sld [smem:$0x3FBA];
	_ =	sdelay $0x3  }
0x34: {  	[smem:$0x3FBA] =	sst s10  }
0x35: {  	s10 =	sld [smem:$0x3FB9];
	_ =	sdelay $0x3  }
0x36: {  	p1 =	seq.s32 s10, $0x1;
	s10 =	sld [smem:$0x3FBA];
	_ =	sdelay $0x3  }
0x37: {  	[smem:$0x3FBA] =	sst s10  }
0x38: {  	s10 =	sld [smem:$0x3FBB]  }
0x39: {  	_ = 	snop;
	(pc) =	sbr.ind lr, $3  }
0x3a: {  	_ = 	snop  }
0x3b: {  	_ = 	snop  }
0x3c: {  	p2 =	seq.s32 s10, $0x1;
	s10 =	sld [smem:$0x3FBA]  }
0x3d: {  	_ =	shalt  }
0x3e: {  	_ =	shalt  }
0x3f: {  	_ =	shalt  }
0x40: {  	_ =	shalt  }
0x41: {  	_ =	shalt  }
0x42: {  	_ =	shalt  }
0x43: {  	_ =	shalt  }
0x44: {  	_ =	shalt  }
0x45: {  	_ =	shalt  }
0x46: {  	_ =	shalt  }
0x47: {  	_ =	shalt  }
0x48: {  	_ =	shalt  }
0x49: {  	_ =	shalt  }
0x4a: {  	_ =	shalt  }
0x4b: {  	_ =	shalt  }
0x4c: {  	_ =	shalt  }
0x4d: {  	_ =	shalt  }
0x4e: {  	_ =	shalt  }
0x4f: {  	_ =	shalt  }
0x50: {  	_ =	shalt  }
0x51: {  	_ =	shalt  }
0x52: {  	_ =	shalt  }
0x53: {  	_ =	shalt  }
0x54: {  	_ =	shalt  }
0x55: {  	_ =	shalt  }
0x56: {  	_ =	shalt  }
0x57: {  	_ =	shalt  }
0x58: {  	_ =	shalt  }
0x59: {  	_ =	shalt  }
0x5a: {  	_ =	shalt  }
0x5b: {  	_ =	shalt  }
0x5c: {  	_ =	shalt  }
0x5d: {  	_ =	shalt  }
0x5e: {  	_ =	shalt  }
0x5f: {  	_ =	shalt  }
0x60: {  	_ =	shalt  }
0x61: {  	_ =	shalt  }
0x62: {  	_ =	shalt  }
0x63: {  	_ =	shalt  }
0x64: {  	_ =	shalt  }
0x65: {  	_ =	shalt  }
0x66: {  	_ =	shalt  }
0x67: {  	_ =	shalt  }
0x68: {  	_ =	shalt  }
0x69: {  	_ =	shalt  }
0x6a: {  	_ =	shalt  }
0x6b: {  	_ =	shalt  }
0x6c: {  	_ =	shalt  }
0x6d: {  	_ =	shalt  }
0x6e: {  	_ =	shalt  }
0x6f: {  	_ =	shalt  }
0x70: {  	_ =	shalt  }
0x71: {  	_ =	shalt  }
0x72: {  	_ =	shalt  }
0x73: {  	_ =	shalt  }
0x74: {  	_ =	shalt  }
0x75: {  	_ =	shalt  }
0x76: {  	_ =	shalt  }
0x77: {  	_ =	shalt  }
0x78: {  	_ =	shalt  }
0x79: {  	_ =	shalt  }
0x7a: {  	_ =	shalt  }
0x7b: {  	_ =	shalt  }
0x7c: {  	_ =	shalt  }
0x7d: {  	_ =	shalt  }
0x7e: {  	_ =	shalt  }
0x7f: {  	_ =	shalt  }
0x80: {  	_ =	shalt  }
0x81: {  	_ =	shalt  }
0x82: {  	_ =	shalt  }
0x83: {  	_ =	shalt  }
0x84: {  	_ =	shalt  }
0x85: {  	_ =	shalt  }
0x86: {  	_ =	shalt  }
0x87: {  	_ =	shalt  }
.Lfunc_end0:
.L_simem_size_0:
called_computation.3_lowered:
.L_overlay_start_0:
0x88: {  	s2 =	sld [smem:$0x3FD9]  }
0x89: {  	s3 =	sld [smem:$0x3FFE];
	_ =	sdelay $0x1  }
0x8a: {  	s1 =	srdreg.scid  }
0x8b: {  	s0 =	sand.u32 $0x1, s1  }
0x8c: {  	s17 =	sshll.u32 s0, $0xA;
	s2 =	sadd.s32 s3, s2  }
0x8d: {  	s2 =	sadd.s32 s2, s17  }
0x8e: {  	[smem:$0x3FC6] =	sst s2  }
0x8f: {  	_ = 	snop  }
0x90: {  	(tm) =	ssettm $0x1  }
0x91: {  	s18 =	sld [smem:$0x3FFB];
	_ =	sdelay $0x3  }
0x92: {  	_ =	strace s18  }
0x93: {  	s2 =	sld [smem:$0x3FFC];
	_ =	sdelay $0x3  }
0x94: {  	_ =	strace s2  }
0x95: {  	s2 =	sld [smem:$0x3FFD];
	_ =	sdelay $0x3  }
0x96: {  	_ =	strace s2  }
0x97: {  	_ =	strace $0x8FFFFFFF  }
0x98: {  	s19 =	sld [smem:$0x3FDB];
	_ =	sdelay $0x1  }
0x99: {  	s20 =	simm.s32 $_scs_section_size  }
0x9a: {  	s4 =	simm.s32 $_size__tile_overlayer_lowered;
	s5 =	simm.s32 $_tile_overlayer_lowered  }
0x9b: {  	s6 =	simm.s32 $0x1BFF;
	s21 =	sshll.u32 s5, $0x1;
	s3 =	sadd.s32 s20, s19  }
0x9c: {  	s22 =	simm.s32 $0x0;
	s4 =	sshll.u32 s4, $0x1;
	s5 =	sadd.s32 s21, s3  }
0x9d: {  	[timem:s22], [sflag:s6] =	dma.local [hbm:s5], s4  }
0x9e: {  	_ =	swait.ge [sflag:s6], s4  }
0x9f: {  	s4 =	ssub.s32 $0x0, s4;
	[sflag:s6] =	ssyncset.done $0x0  }
0xa0: {  	[sflag:s6] =	ssyncadd.s32 s4;
	_ =	sdelay $0x1  }
0xa1: {  	s23 =	simm.s32 $0x1B8B  }
0xa2: {  	_ =	swait.ge [sflag:s23], $0x1  }
0xa3: {  	[sflag:s23] =	ssyncset.done $0x0  }
0xa4: {  	[sflag:s23] =	ssyncadd.s32 $0xFFFFFFFF  }
0xa5: {  	s4 =	sld [smem:$0x0]  }
0xa6: {  	s5 =	sand.u32 $0xFFFFFFFE, s1  }
0xa7: {  	p0 =	sne.s32 s1, s5  }
0xa8: {  	s5 =	sshll.u32 @p0 s5, $0xE  }
0xa9: {  	s5 =	sadd.s32 @p0 $0x11B8D, s5;
	s6 =	sshll.u32 @p0 s4, $0x11  }
0xaa: {  	s5 =	sor.u32 @p0 s6, s5  }
0xab: {  	[sflag:s5] =	ssyncadd.remote.s32 @p0 $0x1;
	_ =	sdelay $0x1  }
0xac: {  	s5 =	simm.s32 @p0 $0x1B8D  }
0xad: {  	_ =	swait.eq @p0 [sflag:s5], $0x1  }
0xae: {  	[sflag:s5] =	ssyncadd.s32 @p0 $0xFFFFFFFF  }
0xaf: {  	s6 =	sshll.u32 @!p0 s1, $0xE  }
0xb0: {  	s6 =	sor.u32 @!p0 $0x4000, s6;
	s5 =	simm.s32 @!p0 $0x1B8D  }
0xb1: {  	s4 =	sshll.u32 @!p0 s4, $0x11;
	s6 =	sadd.s32 @!p0 $0x11B8D, s6;
	_ =	swait.eq @!p0 [sflag:s5], $0x1  }
0xb2: {  	s4 =	sor.u32 @!p0 s4, s6;
	[sflag:s5] =	ssyncadd.s32 @!p0 $0xFFFFFFFF  }
0xb3: {  	s25 =	simm.s32 $0x1B8E;
	s24 =	sld [smem:$0x3FFE];
	[sflag:s4] =	ssyncadd.remote.s32 @!p0 $0x1  }
0xb4: {  	s26 =	simm.s32 $execute0_lowered;
	[smem:$0x3FD2] =	sst s25  }
0xb5: {  	s5 =	sshll.u32 s26, $0x1;
	_ =	strace $0x8000004C;
	[dreg:$0x1] =	wrdreg $0xFFFFFFFF  }
0xb6: {  	s28 =	simm.s32 $_size_execute0_lowered;
	s3 =	sadd.s32 s3, s5;
	[dreg:$0x0] =	wrdreg $0x0  }
0xb7: {  	s5 =	sshll.u32 s28, $0x1;
	[dreg:$0x2] =	wrdreg s3  }
0xb8: {  	[dreg:$0x3] =	wrdreg s5  }
0xb9: {  	[dreg:$0x4] =	wrdreg $0xC0  }
0xba: {  	_ =	task [dreg:s22], $0x5FFFF  }
0xbb: {  	[dreg:$0x1] =	wrdreg $0xFFFFFFFF  }
0xbc: {  	[dreg:$0x0] =	wrdreg $0x60  }
0xbd: {  	[dreg:$0x2] =	wrdreg s24  }
0xbe: {  	[dreg:$0x3] =	wrdreg $0xC  }
0xbf: {  	_ =	task.clear_ibuf [dreg:s22], $0x4FFFF;
	_ =	strace $0x9000004C  }
0xc0: {  	s29 =	simm.s32 $0xC;
	_ =	strace $0x8000004E  }
0xc1: {  	_ =	swait.ge [sflag:s29], $0x1  }
0xc2: {  	[sflag:s29] =	ssyncadd.s32 $0xFFFFFFFF  }
0xc3: {  	_ =	strace $0x9000004E  }
0xc4: {  	_ =	sfence  }
0xc5: {  	s30 =	sld [smem:$0x0];
	_ =	sdelay $0x2  }
0xc6: {  	s31 =	sshll.u32 s1, $0xD;
	s1 =	sshrl.u32 s1, $0x2  }
0xc7: {  	s4 =	sand.u32 $0x4000, s31;
	s1 =	sadd.s32 s1, s30  }
0xc8: {  	s0 =	sor.u32 s4, s0;
	s1 =	sshll.u32 s1, $0x11  }
0xc9: {  	s0 =	sor.u32 s1, s0  }
0xca: {  	s0 =	sadd.s32 $0x8F2B, s0  }
0xcb: {  	[sflag:s0] =	ssyncadd.remote.s32 $0x1  }
0xcc: {  	_ =	sfence.sel $0xFFFF  }
0xcd: {  	[dreg:$0x0] =	wrdreg $0xFFFFFFFF;
	(pc) =	sbr.abs _section_cstart, $3  }
0xce: {  	[dreg:$0x1] =	wrdreg $0xFFFFFFFF  }
0xcf: {  	_ =	task.clear_ibuf [dreg:s22], $0x2FFFF;
	_ =	strace $0x9FFFFFFF  }
0xd0: {  	(tm) =	ssettm $0x7FFFFFFF  }
0xd1: {  	_ =	shalt  }
tec
execute0_lowered:
.L_overlay_start_1:
0x0: {  	(tag) =	ssettag $0x1  }
0x1: {  	s4 =	rddreg [dreg:$0x0]  }
0x2: {  	s0 =	rddreg [dreg:$0x1];
	s2 =	simm.s32 $0x0  }
0x3: {  	s3 =	srdreg.scid;
	s1 =	stileid.u32;
	s10 =	simm.s32 $0xC80  }
0x4: {  	s11 =	simm.s32 $0x1900;
	s12 =	simm.s32 $0x2;
	s13 =	simm.s32 $0x5900  }
0x5: {  	s14 =	simm.s32 $0x3;
	s15 =	simm.s32 $0x4;
	s16 =	simm.s32 $0x0  }
0x6: {  	[smem:$0x7FF] =	sst s2;
	s5 =	sand.u32 $0x1, s3;
	s6 =	sshll.u32 s1, $0x1  }
0x7: {  	s3 =	sadd.s32 $0x133C00, s4;
	s6 =	sor.u32 s5, s6;
	s5 =	ssub.s32 $0x2, s5  }
0x8: {  	s7 =	sshll.u32 s6, $0xE;
	s8 =	sshrl.u32 s5, $0x1;
	s9 =	smul.u32 $0xC80, s6  }
0x9: {  	v2 =	vlaneseq.u32;
	_ =	strace $0x8000004D;
	s7 =	sadd.s32 s7, s4;
	s8 =	ssub.s32 s5, s8  }
0xa: {  	v1 =	vmul.u32 $0xC8, v2;
	s4 =	sshll.u32 s6, $0x7;
	s5 =	sadd.s32 s3, s9;
	s6 =	sadd.s32 $0x14CC00, s7  }
0xb: {  	v0 =	vimm.f32 $0.0e+00;
	v3 =	vimm.f32 $1.000000000e+00;
	v2 =	vmul.u32 $0x400, v2;
	s7 =	sor.u32 $0x20, s4;
	s8 =	smax.u32 s8, $0x1;
	s9 =	simm.s32 $0x1  }
.LBB2_1:
0xc: {  	[tilespmem:s2], [sflag:$0x1] =	stream.linear.gather [hbm4b:s5+s2], $0xC80, $0x38;
	[tilespmem:$0x9900] =	vst v63  }
0xd: {  	s17 =	simm.s32 $0x0  }
.LBB2_2:
0xe: {  	p0 =	seq.s32 s17, $0x0  }
0xf: {  	s18 =	simm.s32 @!p0 $0x3  }
0x10: {  	_ =	swait.ge @!p0 [sflag:s18], $0x4000  }
0x11: {  	[sflag:s18] =	ssyncset.done @!p0 $0x0  }
0x12: {  	s19 =	simm.s32 $0x1940;
	[sflag:s18] =	ssyncadd.s32 @!p0 $0xFFFFC000  }
0x13: {  	[tilespmem:s19+$0xFFFFFFC0] =	vst v0  }
0x14: {  	[tilespmem:s19+$0x30] =	vst v0  }
0x15: {  	[tilespmem:s19+$0x20] =	vst v0  }
0x16: {  	[tilespmem:s19+$0x10] =	vst v0  }
0x17: {  	[tilespmem:s19+$0x0] =	vst v0  }
0x18: {  	[tilespmem:s19+$0xFFFFFFF0] =	vst v0  }
0x19: {  	s20 =	simm.s32 $0x0;
	s18 =	sshll.u32 s17, $0x1;
	[tilespmem:s19+$0xFFFFFFE0] =	vst v0  }
.LBB2_3:
0x1a: {  	s20 =	sadd.s32 $0x8, s20;
	[tilespmem:s19+$0xFFFFFFD0] =	vst v0;
	s19 =	sadd.s32 $0x80, s19  }
0x1b: {  	[tilespmem:s19+$0xFFFFFFC0] =	vst v0;
	p1 =	slt.u32 s20, $0x3F8  }
0x1c: {  	[tilespmem:s19+$0x30] =	vst v0  }
.Ltmp0:
0x1d: {  	[tilespmem:s19+$0x20] =	vst v0;
	(pc) =	sbr.rel @p1 .LBB2_3-.Ltmp0, $4  }
0x1e: {  	[tilespmem:s19+$0x10] =	vst v0  }
0x1f: {  	[tilespmem:s19+$0x0] =	vst v0  }
0x20: {  	[tilespmem:s19+$0xFFFFFFF0] =	vst v0  }
0x21: {  	[tilespmem:s19+$0xFFFFFFE0] =	vst v0  }
0x22: {  	s18 =	sor.u32 $0x1, s18  }
0x23: {  	s29 =	simm.s32 $0x0;
	s20 =	sshll.u32 s18, $0x4  }
0x24: {  	[tilespmem:s19+$0xFFFFFFD0] =	vst v0;
	s30 =	simm.s32 $0x7;
	v4 =	vadd.s32 s29, v1;
	s28 =	sadd.s32 s4, s20  }
0x25: {  	s31 =	simm.s32 $0x6;
	_ =	swait.ge [sflag:s9], $0xC80;
	v5 =	vadd.s32 s30, v1;
	s19 =	smul.u32 $0x19, s28  }
0x26: {  	s21 =	simm.s32 $0x4;
	v6 =	vadd.s32 s31, v1;
	[sflag:s9] =	ssyncset.done $0x0;
	s20 =	simm.s32 $0x5  }
0x27: {  	s22 =	simm.s32 $0x3;
	[sflag:s9] =	ssyncadd.s32 $0xFFFFF380;
	v7 =	vadd.s32 s20, v1;
	s19 =	sadd.s32 s3, s19  }
0x28: {  	v8 =	vadd.s32 s21, v1;
	[tilespmem:s10], [sflag:$0x2] =	stream.linear.gather [hbm4b:s19+s29], $0xC80, $0x38;
	[tilespmem:$0x9900] =	vst v63  }
0x29: {  	s23 =	simm.s32 $0x2;
	v9 =	vadd.s32 s22, v1;
	v4 =	vld.idx.msk [tilespmem:v4+s2+$0x0], $0xffff  }
0x2a: {  	s24 =	simm.s32 $0x1;
	v10 =	vadd.s32 s23, v1;
	v5 =	vld.idx.msk [tilespmem:v5+s2+$0x0], $0xffff  }
0x2b: {  	s25 =	simm.s32 $0x8;
	v11 =	vadd.s32 s24, v1;
	v6 =	vld.idx.msk [tilespmem:v6+s2+$0x0], $0xffff  }
0x2c: {  	v12 =	vadd.s32 s25, v1;
	s28 =	simm.s32 $0xE;
	v7 =	vld.idx.msk [tilespmem:v7+s2+$0x0], $0xffff  }
0x2d: {  	v15 =	vadd.s32 s28, v1;
	v8 =	vld.idx.msk [tilespmem:v8+s2+$0x0], $0xffff  }
0x2e: {  	s26 =	simm.s32 $0xF;
	v9 =	vld.idx.msk [tilespmem:v9+s2+$0x0], $0xffff;
	v4 =	vadd.s32 v2, v4  }
0x2f: {  	v13 =	vadd.s32 s26, v1;
	v10 =	vld.idx.msk [tilespmem:v10+s2+$0x0], $0xffff  }
0x30: {  	v11 =	vld.idx.msk [tilespmem:v11+s2+$0x0], $0xffff;
	v14 =	vadd.s32 v2, v5  }
0x31: {  	v5 =	vld.idx.msk [tilespmem:v12+s2+$0x0], $0xffff;
	v7 =	vadd.s32 v2, v7  }
0x32: {  	v61 =	vadd.s32 v2, v6;
	v8 =	vadd.s32 v2, v8;
	v6 =	vld.idx.msk [tilespmem:v15+s2+$0x0], $0xffff  }
0x33: {  	[tilespmem:v4+s11+$0x0] =	vst.idx.add.f32.msk $0xffff, v3  }
0x34: {  	v62 =	vadd.s32 v2, v9;
	v4 =	vld.idx.msk [tilespmem:v13+s2+$0x0], $0xffff  }
0x35: {  	v63 =	vadd.s32 v2, v10;
	[tilespmem:v14+s11+$0x0] =	vst.idx.add.f32.msk $0xffff, v3  }
0x36: {  	s29 =	simm.s32 $0xD;
	[tilespmem:v7+s11+$0x0] =	vst.idx.add.f32.msk $0xffff, v3;
	v7 =	vadd.s32 v2, v11  }
0x37: {  	s30 =	simm.s32 $0xC;
	[tilespmem:v8+s11+$0x0] =	vst.idx.add.f32.msk $0xffff, v3;
	v8 =	vadd.s32 s29, v1  }
0x38: {  	s31 =	simm.s32 $0xB;
	v9 =	vadd.s32 s30, v1;
	[tilespmem:v61+s11+$0x0] =	vst.idx.add.f32.msk $0xffff, v3  }
0x39: {  	s21 =	simm.s32 $0xA;
	v10 =	vadd.s32 s31, v1;
	[tilespmem:v62+s11+$0x0] =	vst.idx.add.f32.msk $0xffff, v3  }
0x3a: {  	s20 =	simm.s32 $0x9;
	s19 =	simm.s32 $0x10;
	[tilespmem:v63+s11+$0x0] =	vst.idx.add.f32.msk $0xffff, v3;
	v11 =	vadd.s32 s21, v1  }
.LBB2_5:
0x3b: {  	p1 =	slt.u32 s19, $0xC0;
	v12 =	vadd.s32 s20, v1;
	[tilespmem:v7+s11+$0x0] =	vst.idx.add.f32.msk $0xffff, v3  }
0x3c: {  	v7 =	vadd.s32 s19, v1;
	v8 =	vld.idx.msk [tilespmem:v8+s2+$0x0], $0xffff  }
0x3d: {  	s20 =	sadd.s32 $0x7, s19;
	v13 =	vadd.s32 v2, v5;
	v9 =	vld.idx.msk [tilespmem:v9+s2+$0x0], $0xffff  }
0x3e: {  	v14 =	vadd.s32 s20, v1;
	v10 =	vld.idx.msk [tilespmem:v10+s2+$0x0], $0xffff  }
0x3f: {  	v15 =	vadd.s32 v2, v4;
	s20 =	sadd.s32 $0x6, s19;
	v11 =	vld.idx.msk [tilespmem:v11+s2+$0x0], $0xffff  }
0x40: {  	v16 =	vadd.s32 s20, v1;
	v12 =	vld.idx.msk [tilespmem:v12+s2+$0x0], $0xffff  }
0x41: {  	v17 =	vadd.s32 v2, v6;
	v5 =	vld.idx.msk [tilespmem:v7+s2+$0x0], $0xffff  }
0x42: {  	[tilespmem:v13+s11+$0x0] =	vst.idx.add.f32.msk $0xffff, v3;
	v13 =	vadd.s32 v2, v8  }
0x43: {  	v4 =	vld.idx.msk [tilespmem:v14+s2+$0x0], $0xffff;
	v14 =	vadd.s32 v2, v9  }
0x44: {  	v18 =	vadd.s32 v2, v10;
	[tilespmem:v15+s11+$0x0] =	vst.idx.add.f32.msk $0xffff, v3  }
0x45: {  	v15 =	vadd.s32 v2, v11;
	v6 =	vld.idx.msk [tilespmem:v16+s2+$0x0], $0xffff  }
.Ltmp1:
0x46: {  	s20 =	sadd.s32 $0x5, s19;
	v7 =	vadd.s32 v2, v12;
	[tilespmem:v17+s11+$0x0] =	vst.idx.add.f32.msk $0xffff, v3;
	(pc) =	sbr.rel @p1 .LBB2_5-.Ltmp1, $4  }
0x47: {  	s21 =	sadd.s32 $0x4, s19;
	v8 =	vadd.s32 s20, v1;
	[tilespmem:v13+s11+$0x0] =	vst.idx.add.f32.msk $0xffff, v3  }
0x48: {  	s20 =	sadd.s32 $0x3, s19;
	v9 =	vadd.s32 s21, v1;
	[tilespmem:v14+s11+$0x0] =	vst.idx.add.f32.msk $0xffff, v3  }
0x49: {  	s21 =	sadd.s32 $0x2, s19;
	v10 =	vadd.s32 s20, v1;
	[tilespmem:v18+s11+$0x0] =	vst.idx.add.f32.msk $0xffff, v3  }
0x4a: {  	s20 =	sadd.s32 $0x1, s19;
	s19 =	sadd.s32 $0x8, s19;
	v11 =	vadd.s32 s21, v1;
	[tilespmem:v15+s11+$0x0] =	vst.idx.add.f32.msk $0xffff, v3  }
0x4b: {  	_ =	sdelay $0x2  }
0x4c: {  	v12 =	vadd.s32 s20, v1  }
0x4d: {  	v8 =	vld.idx.msk [tilespmem:v8+s2+$0x0], $0xffff  }
0x4e: {  	v9 =	vld.idx.msk [tilespmem:v9+s2+$0x0], $0xffff  }
0x4f: {  	v5 =	vadd.s32 v2, v5;
	v10 =	vld.idx.msk [tilespmem:v10+s2+$0x0], $0xffff  }
0x50: {  	v11 =	vld.idx.msk [tilespmem:v11+s2+$0x0], $0xffff;
	v4 =	vadd.s32 v2, v4  }
0x51: {  	v6 =	vadd.s32 v2, v6;
	v12 =	vld.idx.msk [tilespmem:v12+s2+$0x0], $0xffff  }
0x52: {  	v8 =	vadd.s32 v2, v8  }
0x53: {  	[tilespmem:v7+s11+$0x0] =	vst.idx.add.f32.msk $0xffff, v3;
	v62 =	vadd.s32 v2, v9  }
0x54: {  	[tilespmem:v5+s11+$0x0] =	vst.idx.add.f32.msk $0xffff, v3;
	v5 =	vadd.s32 v2, v10  }
0x55: {  	[tilespmem:v4+s11+$0x0] =	vst.idx.add.f32.msk $0xffff, v3;
	v4 =	vadd.s32 v2, v11  }
0x56: {  	[tilespmem:v6+s11+$0x0] =	vst.idx.add.f32.msk $0xffff, v3;
	v63 =	vadd.s32 v2, v12  }
0x57: {  	[tilespmem:v8+s11+$0x0] =	vst.idx.add.f32.msk $0xffff, v3  }
0x58: {  	[tilespmem:v62+s11+$0x0] =	vst.idx.add.f32.msk $0xffff, v3  }
0x59: {  	[tilespmem:v5+s11+$0x0] =	vst.idx.add.f32.msk $0xffff, v3  }
0x5a: {  	s19 =	sshll.u32 s17, $0xC;
	[tilespmem:v4+s11+$0x0] =	vst.idx.add.f32.msk $0xffff, v3  }
0x5b: {  	s19 =	sadd.s32 s19, s6;
	[tilespmem:v63+s11+$0x0] =	vst.idx.add.f32.msk $0xffff, v3  }
0x5c: {  	[hbm4b:s19+s2] =	stream.linear.scatter [tilespmem:s11], [sflag:$0x3], $0x4000, $0x38;
	[tilespmem:$0x9900] =	vst v63  }
0x5d: {  	s19 =	simm.s32 @!p0 $0x4  }
0x5e: {  	_ =	swait.ge @!p0 [sflag:s19], $0x4000  }
0x5f: {  	[sflag:s19] =	ssyncset.done @!p0 $0x0  }
0x60: {  	[sflag:s19] =	ssyncadd.s32 @!p0 $0xFFFFC000;
	s19 =	simm.s32 $0x5940  }
0x61: {  	[tilespmem:s19+$0xFFFFFFC0] =	vst v0  }
0x62: {  	[tilespmem:s19+$0x30] =	vst v0  }
0x63: {  	[tilespmem:s19+$0x20] =	vst v0  }
0x64: {  	[tilespmem:s19+$0x10] =	vst v0  }
0x65: {  	[tilespmem:s19+$0x0] =	vst v0  }
0x66: {  	[tilespmem:s19+$0xFFFFFFF0] =	vst v0  }
0x67: {  	s20 =	simm.s32 $0x0;
	[tilespmem:s19+$0xFFFFFFE0] =	vst v0  }
.LBB2_7:
0x68: {  	s20 =	sadd.s32 $0x8, s20;
	[tilespmem:s19+$0xFFFFFFD0] =	vst v0;
	s19 =	sadd.s32 $0x80, s19  }
0x69: {  	[tilespmem:s19+$0xFFFFFFC0] =	vst v0;
	p0 =	slt.u32 s20, $0x3F8  }
0x6a: {  	[tilespmem:s19+$0x30] =	vst v0  }
.Ltmp2:
0x6b: {  	[tilespmem:s19+$0x20] =	vst v0;
	(pc) =	sbr.rel @p0 .LBB2_7-.Ltmp2, $4  }
0x6c: {  	[tilespmem:s19+$0x10] =	vst v0  }
0x6d: {  	[tilespmem:s19+$0x0] =	vst v0  }
0x6e: {  	[tilespmem:s19+$0xFFFFFFF0] =	vst v0  }
0x6f: {  	[tilespmem:s19+$0xFFFFFFE0] =	vst v0  }
0x70: {  	p0 =	seq.s32 s17, $0x3  }
0x71: {  	[tilespmem:s19+$0xFFFFFFD0] =	vst v0;
	s21 =	simm.s32 $0x0;
	s19 =	sshll.u32 @!p0 s17, $0x5  }
0x72: {  	s28 =	simm.s32 $0x7;
	s29 =	simm.s32 $0x6;
	v4 =	vadd.s32 s21, v1;
	s19 =	sadd.s32 @!p0 s19, s7  }
0x73: {  	s30 =	simm.s32 $0x5;
	_ =	swait.ge [sflag:s12], $0xC80;
	v5 =	vadd.s32 s28, v1;
	s19 =	smul.u32 @!p0 $0x19, s19  }
0x74: {  	s31 =	simm.s32 $0x4;
	s20 =	simm.s32 @!p0 $0x0;
	v6 =	vadd.s32 s29, v1;
	[sflag:s12] =	ssyncset.done $0x0  }
0x75: {  	v7 =	vadd.s32 s30, v1;
	s21 =	simm.s32 $0x3;
	[sflag:s12] =	ssyncadd.s32 $0xFFFFF380;
	s19 =	sadd.s32 @!p0 s3, s19  }
0x76: {  	v8 =	vadd.s32 s31, v1;
	[tilespmem:s20], [sflag:$0x1] =	stream.linear.gather @!p0 [hbm4b:s19+s20], $0xC80, $0x38;
	[tilespmem:$0x9900] =	vst v63  }
0x77: {  	s22 =	simm.s32 $0x2;
	v9 =	vadd.s32 s21, v1;
	v4 =	vld.idx.msk [tilespmem:v4+s10+$0x0], $0xffff  }
0x78: {  	s23 =	simm.s32 $0x1;
	v10 =	vadd.s32 s22, v1;
	v5 =	vld.idx.msk [tilespmem:v5+s10+$0x0], $0xffff  }
0x79: {  	s24 =	simm.s32 $0x8;
	v11 =	vadd.s32 s23, v1;
	v6 =	vld.idx.msk [tilespmem:v6+s10+$0x0], $0xffff  }
0x7a: {  	s26 =	simm.s32 $0xE;
	v12 =	vadd.s32 s24, v1;
	v7 =	vld.idx.msk [tilespmem:v7+s10+$0x0], $0xffff  }
0x7b: {  	v15 =	vadd.s32 s26, v1;
	v8 =	vld.idx.msk [tilespmem:v8+s10+$0x0], $0xffff  }
0x7c: {  	s25 =	simm.s32 $0xF;
	v9 =	vld.idx.msk [tilespmem:v9+s10+$0x0], $0xffff;
	v4 =	vadd.s32 v2, v4  }
0x7d: {  	v13 =	vadd.s32 s25, v1;
	v10 =	vld.idx.msk [tilespmem:v10+s10+$0x0], $0xffff  }
0x7e: {  	v11 =	vld.idx.msk [tilespmem:v11+s10+$0x0], $0xffff;
	v14 =	vadd.s32 v2, v5  }
0x7f: {  	v5 =	vld.idx.msk [tilespmem:v12+s10+$0x0], $0xffff;
	v7 =	vadd.s32 v2, v7  }
0x80: {  	v61 =	vadd.s32 v2, v6;
	v8 =	vadd.s32 v2, v8;
	v6 =	vld.idx.msk [tilespmem:v15+s10+$0x0], $0xffff  }
0x81: {  	[tilespmem:v4+s13+$0x0] =	vst.idx.add.f32.msk $0xffff, v3  }
0x82: {  	v62 =	vadd.s32 v2, v9;
	v4 =	vld.idx.msk [tilespmem:v13+s10+$0x0], $0xffff  }
0x83: {  	v63 =	vadd.s32 v2, v10;
	[tilespmem:v14+s13+$0x0] =	vst.idx.add.f32.msk $0xffff, v3  }
0x84: {  	s28 =	simm.s32 $0xD;
	[tilespmem:v7+s13+$0x0] =	vst.idx.add.f32.msk $0xffff, v3;
	v7 =	vadd.s32 v2, v11  }
0x85: {  	s29 =	simm.s32 $0xC;
	[tilespmem:v8+s13+$0x0] =	vst.idx.add.f32.msk $0xffff, v3;
	v8 =	vadd.s32 s28, v1  }
0x86: {  	s30 =	simm.s32 $0xB;
	v9 =	vadd.s32 s29, v1;
	[tilespmem:v61+s13+$0x0] =	vst.idx.add.f32.msk $0xffff, v3  }
0x87: {  	s31 =	simm.s32 $0xA;
	v10 =	vadd.s32 s30, v1;
	[tilespmem:v62+s13+$0x0] =	vst.idx.add.f32.msk $0xffff, v3  }
0x88: {  	s20 =	simm.s32 $0x9;
	s19 =	simm.s32 $0x10;
	v11 =	vadd.s32 s31, v1;
	[tilespmem:v63+s13+$0x0] =	vst.idx.add.f32.msk $0xffff, v3  }
.LBB2_9:
0x89: {  	p0 =	slt.u32 s19, $0xC0;
	v12 =	vadd.s32 s20, v1;
	[tilespmem:v7+s13+$0x0] =	vst.idx.add.f32.msk $0xffff, v3  }
0x8a: {  	v7 =	vadd.s32 s19, v1;
	v8 =	vld.idx.msk [tilespmem:v8+s10+$0x0], $0xffff  }
0x8b: {  	s20 =	sadd.s32 $0x7, s19;
	v13 =	vadd.s32 v2, v5;
	v9 =	vld.idx.msk [tilespmem:v9+s10+$0x0], $0xffff  }
0x8c: {  	v14 =	vadd.s32 s20, v1;
	v10 =	vld.idx.msk [tilespmem:v10+s10+$0x0], $0xffff  }
0x8d: {  	v15 =	vadd.s32 v2, v4;
	s20 =	sadd.s32 $0x6, s19;
	v11 =	vld.idx.msk [tilespmem:v11+s10+$0x0], $0xffff  }
0x8e: {  	v16 =	vadd.s32 s20, v1;
	v12 =	vld.idx.msk [tilespmem:v12+s10+$0x0], $0xffff  }
0x8f: {  	v17 =	vadd.s32 v2, v6;
	v5 =	vld.idx.msk [tilespmem:v7+s10+$0x0], $0xffff  }
0x90: {  	[tilespmem:v13+s13+$0x0] =	vst.idx.add.f32.msk $0xffff, v3;
	v13 =	vadd.s32 v2, v8  }
0x91: {  	v4 =	vld.idx.msk [tilespmem:v14+s10+$0x0], $0xffff;
	v14 =	vadd.s32 v2, v9  }
0x92: {  	v18 =	vadd.s32 v2, v10;
	[tilespmem:v15+s13+$0x0] =	vst.idx.add.f32.msk $0xffff, v3  }
0x93: {  	v15 =	vadd.s32 v2, v11;
	v6 =	vld.idx.msk [tilespmem:v16+s10+$0x0], $0xffff  }
.Ltmp3:
0x94: {  	s20 =	sadd.s32 $0x5, s19;
	v7 =	vadd.s32 v2, v12;
	[tilespmem:v17+s13+$0x0] =	vst.idx.add.f32.msk $0xffff, v3;
	(pc) =	sbr.rel @p0 .LBB2_9-.Ltmp3, $4  }
0x95: {  	s21 =	sadd.s32 $0x4, s19;
	v8 =	vadd.s32 s20, v1;
	[tilespmem:v13+s13+$0x0] =	vst.idx.add.f32.msk $0xffff, v3  }
0x96: {  	s20 =	sadd.s32 $0x3, s19;
	v9 =	vadd.s32 s21, v1;
	[tilespmem:v14+s13+$0x0] =	vst.idx.add.f32.msk $0xffff, v3  }
0x97: {  	s21 =	sadd.s32 $0x2, s19;
	v10 =	vadd.s32 s20, v1;
	[tilespmem:v18+s13+$0x0] =	vst.idx.add.f32.msk $0xffff, v3  }
0x98: {  	s20 =	sadd.s32 $0x1, s19;
	s19 =	sadd.s32 $0x8, s19;
	v11 =	vadd.s32 s21, v1;
	[tilespmem:v15+s13+$0x0] =	vst.idx.add.f32.msk $0xffff, v3  }
0x99: {  	_ =	sdelay $0x2  }
0x9a: {  	v12 =	vadd.s32 s20, v1  }
0x9b: {  	v8 =	vld.idx.msk [tilespmem:v8+s10+$0x0], $0xffff  }
0x9c: {  	v9 =	vld.idx.msk [tilespmem:v9+s10+$0x0], $0xffff  }
0x9d: {  	v5 =	vadd.s32 v2, v5;
	v10 =	vld.idx.msk [tilespmem:v10+s10+$0x0], $0xffff  }
0x9e: {  	v11 =	vld.idx.msk [tilespmem:v11+s10+$0x0], $0xffff;
	v4 =	vadd.s32 v2, v4  }
0x9f: {  	v6 =	vadd.s32 v2, v6;
	v12 =	vld.idx.msk [tilespmem:v12+s10+$0x0], $0xffff  }
0xa0: {  	v8 =	vadd.s32 v2, v8  }
0xa1: {  	[tilespmem:v7+s13+$0x0] =	vst.idx.add.f32.msk $0xffff, v3;
	v62 =	vadd.s32 v2, v9  }
0xa2: {  	[tilespmem:v5+s13+$0x0] =	vst.idx.add.f32.msk $0xffff, v3;
	v5 =	vadd.s32 v2, v10  }
0xa3: {  	[tilespmem:v4+s13+$0x0] =	vst.idx.add.f32.msk $0xffff, v3;
	v4 =	vadd.s32 v2, v11  }
0xa4: {  	s17 =	sadd.s32 $0x1, s17;
	[tilespmem:v6+s13+$0x0] =	vst.idx.add.f32.msk $0xffff, v3;
	v63 =	vadd.s32 v2, v12  }
0xa5: {  	p0 =	sne.s32 s17, $0x4;
	[tilespmem:v8+s13+$0x0] =	vst.idx.add.f32.msk $0xffff, v3  }
.Ltmp4:
0xa6: {  	[tilespmem:v62+s13+$0x0] =	vst.idx.add.f32.msk $0xffff, v3;
	(pc) =	sbr.rel @p0 .LBB2_2-.Ltmp4, $4  }
0xa7: {  	[tilespmem:v5+s13+$0x0] =	vst.idx.add.f32.msk $0xffff, v3  }
0xa8: {  	s18 =	sshll.u32 s18, $0xB;
	[tilespmem:v4+s13+$0x0] =	vst.idx.add.f32.msk $0xffff, v3  }
0xa9: {  	s18 =	sadd.s32 s18, s6;
	[tilespmem:v63+s13+$0x0] =	vst.idx.add.f32.msk $0xffff, v3  }
0xaa: {  	[hbm4b:s18+s2] =	stream.linear.scatter [tilespmem:s13], [sflag:$0x4], $0x4000, $0x38;
	[tilespmem:$0x9900] =	vst v63  }
0xab: {  	s16 =	sadd.s32 $0x1, s16  }
0xac: {  	_ =	swait.ge [sflag:s14], $0x4000;
	p0 =	sne.s32 s16, s8  }
.Ltmp5:
0xad: {  	[sflag:s14] =	ssyncset.done $0x0;
	(pc) =	sbr.rel @p0 .LBB2_1-.Ltmp5, $4  }
0xae: {  	[sflag:s14] =	ssyncadd.s32 $0xFFFFC000  }
0xaf: {  	_ =	swait.ge [sflag:s15], $0x4000  }
0xb0: {  	[sflag:s15] =	ssyncset.done $0x0  }
0xb1: {  	[sflag:s15] =	ssyncadd.s32 $0xFFFFC000  }
0xb2: {  	_ =	sfence.sel $0x180000  }
0xb3: {  	[bflag:$0x0] =	sbarrier.arrive $0xFFFF  }
0xb4: {  	p0 =	sne.s32 s1, $0x0;
	_ =	strace $0x9000004D  }
0xb5: {  	s0 =	sadd.s32 @!p0 $0x100000, s0;
	[bflag:$0x2] =	sbarrier.arrive $0xFFFF  }
0xb6: {  	[sflag:s0] =	ssyncadd.tile.s32 @!p0 $0x1;
	_ =	shalt  }
.Lfunc_end2:
_tile_overlayer_lowered:
.L_overlay_start_2:
0xb7: {  	(tag) =	ssettag $0x2  }
0xb8: {  	s0 =	rddreg [dreg:$0x0];
	s2 =	stileid.u32  }
0xb9: {  	s1 =	rddreg [dreg:$0x1];
	p0 =	sne.s32 s2, $0x0  }
0xba: {  	s3 =	rddreg [dreg:$0x2];
	[bflag:$0x3] =	sbarrier.arrive $0xFFFF;
	s2 =	simm.s32 @!p0 $0x1C05  }
0xbb: {  	[timem:s3], [sflag:s2] =	dma.local @!p0 [hbm:s0], s1  }
0xbc: {  	s0 =	simm.s32 @!p0 $0x5  }
0xbd: {  	_ =	swait.ge @!p0 [sflag:s0], s1  }
0xbe: {  	s1 =	ssub.s32 @!p0 $0x0, s1;
	[sflag:s0] =	ssyncset.done @!p0 $0x0  }
0xbf: {  	[sflag:s0] =	ssyncadd.s32 @!p0 s1  }
0xc0: {  	[bflag:$0x3] =	sbarrier.arrive $0xFFFF  }
0xc1: {  	_ =	shalt  }

</sc_bundles>
